<compile_context>
chip_gen: v7x
topology: tpu7x:2x2x1
jax: 0.10.2.dev20260603
libtpu: 0.0.44.dev20260713+nightly
codegen_flags: <defaults>
</compile_context>

<pallas_src>
import functools

import jax
import jax.numpy as jnp
from jax import lax
from jax.experimental import pallas as pl
from jax.experimental.pallas import tpu as pltpu
from jax.experimental.pallas import tpu_sc as plsc

_NC = 2
_NS = 16
_NW = _NC * _NS
_C = 80
_RB = 1280


def _mesh():
    return plsc.VectorSubcoreMesh(
        core_axis_name="c", subcore_axis_name="s",
        num_cores=_NC, num_subcores=_NS)


def _deg_kernel(N1, n_chunks):
    rpt = N1 // _NS

    @functools.partial(
        pl.kernel, mesh=_mesh(),
        out_type=jax.ShapeDtypeStruct((_NC, _NS, rpt), jnp.float32),
        scratch_types=[
            pltpu.VMEM((n_chunks, _C), jnp.int32),
            pltpu.VMEM((_C,), jnp.float32),
            pltpu.VMEM_SHARED((N1,), jnp.float32),
        ],
    )
    def k(dst_hbm, z1_hbm, degp, didx, ones_v, deg_sh):
        c = lax.axis_index("c")
        s = lax.axis_index("s")
        wid = c * _NS + s
        for i in range(_C // 16):
            ones_v[pl.ds(i * 16, 16)] = jnp.ones((16,), jnp.float32)
        pltpu.sync_copy(z1_hbm, deg_sh.at[pl.ds(s * rpt, rpt)])
        pltpu.sync_copy(dst_hbm.at[wid], didx)
        plsc.subcore_barrier()

        def body(j, carry):
            pltpu.sync_copy(ones_v, deg_sh.at[didx.at[j]], add=True)
            return carry
        lax.fori_loop(0, n_chunks, body, 0)
        plsc.subcore_barrier()
        pltpu.sync_copy(deg_sh.at[pl.ds(s * rpt, rpt)], degp.at[c, s])

    return k


def _agg_kernel(N1, D, n_chunks):
    rpt = N1 // _NS

    @functools.partial(
        pl.kernel, mesh=_mesh(),
        out_type=jax.ShapeDtypeStruct((_NC, _NS, rpt, D), jnp.float32),
        scratch_types=[
            pltpu.VMEM((n_chunks, _C), jnp.int32),
            pltpu.VMEM((n_chunks, _C), jnp.int32),
            pltpu.VMEM((_C, D), jnp.float32),
            pltpu.VMEM_SHARED((N1, D), jnp.float32),
            pltpu.SemaphoreType.DMA,
        ],
    )
    def k(hs_hbm, src_hbm, dst_hbm, z_hbm, accp, sidx, didx, rows_v, acc_sh, sem):
        c = lax.axis_index("c")
        s = lax.axis_index("s")
        wid = c * _NS + s
        pltpu.sync_copy(z_hbm, acc_sh.at[pl.ds(s * rpt, rpt)])
        pltpu.sync_copy(src_hbm.at[wid], sidx)
        pltpu.sync_copy(dst_hbm.at[wid], didx)
        plsc.subcore_barrier()

        def body(j, carry):
            pltpu.async_copy(hs_hbm.at[sidx.at[j]], rows_v, sem).wait()
            pltpu.sync_copy(rows_v, acc_sh.at[didx.at[j]], add=True)
            return carry
        lax.fori_loop(0, n_chunks, body, 0)
        plsc.subcore_barrier()
        pltpu.sync_copy(acc_sh.at[pl.ds(s * rpt, rpt)], accp.at[c, s])

    return k


def _tc1_body(x_ref, w_ref, deg_ref, hs_ref):
    dv = deg_ref[...]
    dinv = lax.rsqrt(dv[:, 0:1] + dv[:, 1:2] + 1.0)
    h = jnp.dot(x_ref[...], w_ref[...], preferred_element_type=jnp.float32)
    hs_ref[...] = h * dinv


def _tc2_body(acc_ref, hs_ref, deg_ref, b_ref, w_ref, hs2_ref):
    dv = deg_ref[...]
    dinv = lax.rsqrt(dv[:, 0:1] + dv[:, 1:2] + 1.0)
    av = acc_ref[...]
    a = av[0] + av[1] + hs_ref[...]
    z = jnp.maximum(dinv * a + b_ref[...], 0.0)
    h2 = jnp.dot(z, w_ref[...], preferred_element_type=jnp.float32)
    hs2_ref[...] = h2 * dinv


def _tc3_body(acc_ref, hs_ref, deg_ref, b_ref, out_ref):
    dv = deg_ref[...]
    dinv = lax.rsqrt(dv[:, 0:1] + dv[:, 1:2] + 1.0)
    av = acc_ref[...]
    a = av[0] + av[1] + hs_ref[...]
    out_ref[...] = dinv * a + b_ref[...]


def kernel(x, edge_index, W1, b1, W2, b2):
    N, D = x.shape
    H = W1.shape[1]
    E = edge_index.shape[1]

    n_chunks = -(-E // (_NW * _C))
    Ep = _NW * _C * n_chunks
    rpt = -(-(N + 1) // _NS)
    rpt = -(-rpt // 64) * 64
    N1 = _NS * rpt

    src = edge_index[0]
    dst = edge_index[1]
    if Ep != E:
        src = jnp.concatenate([src, jnp.zeros((Ep - E,), src.dtype)])
        dst = jnp.concatenate([dst, jnp.full((Ep - E,), N, dst.dtype)])
    src3 = src.reshape(_NW, n_chunks, _C)
    dst3 = dst.reshape(_NW, n_chunks, _C)

    z1 = jnp.zeros((rpt,), jnp.float32)
    zr = jnp.zeros((rpt, H), jnp.float32)

    degp = _deg_kernel(N1, n_chunks)(dst3, z1)
    degp_t = degp.reshape(_NC, N1).T

    grid = (pl.cdiv(N, _RB),)
    deg_spec = pl.BlockSpec((_RB, _NC), lambda i: (i, 0))
    row_spec = pl.BlockSpec((_RB, H), lambda i: (i, 0))
    acc_spec = pl.BlockSpec((_NC, _RB, H), lambda i: (0, i, 0))
    row_shape = jax.ShapeDtypeStruct((N, H), jnp.float32)
    b1r = b1.reshape(1, H)
    b2r = b2.reshape(1, H)

    hs1 = pl.pallas_call(
        _tc1_body, grid=grid,
        in_specs=[pl.BlockSpec((_RB, D), lambda i: (i, 0)),
                  pl.BlockSpec((D, H), lambda i: (0, 0)),
                  deg_spec],
        out_specs=row_spec,
        out_shape=row_shape,
    )(x, W1, degp_t)

    agg = _agg_kernel(N1, H, n_chunks)
    acc1 = agg(hs1, src3, dst3, zr).reshape(_NC, N1, H)

    hs2 = pl.pallas_call(
        _tc2_body, grid=grid,
        in_specs=[acc_spec, row_spec, deg_spec,
                  pl.BlockSpec((1, H), lambda i: (0, 0)),
                  pl.BlockSpec((H, H), lambda i: (0, 0))],
        out_specs=row_spec,
        out_shape=row_shape,
    )(acc1, hs1, degp_t, b1r, W2)

    acc2 = agg(hs2, src3, dst3, zr).reshape(_NC, N1, H)

    out = pl.pallas_call(
        _tc3_body, grid=grid,
        in_specs=[acc_spec, row_spec, deg_spec,
                  pl.BlockSpec((1, H), lambda i: (0, 0))],
        out_specs=row_spec,
        out_shape=row_shape,
    )(acc2, hs2, degp_t, b2r)

    return out

# --- scband reference (transcript-rebuilt; emitter-appended) ---
"""Pipeline reference for scband-conad-encoder-52767968199399 (READ-ONLY COPY).

The authoritative reference and input builder live on the scoring server;
editing this copy changes nothing except your own understanding.
"""

import jax, jax.numpy as jnp
import numpy as np

N = 10000
E = 320000
D = 128
H = 128


def gcn_conv(x, src, dst, W, b, n_nodes):
    # linear transform
    h = x @ W
    # add self loops
    loop = jnp.arange(n_nodes, dtype=src.dtype)
    src2 = jnp.concatenate([src, loop])
    dst2 = jnp.concatenate([dst, loop])
    # symmetric normalization D^-1/2 (A+I) D^-1/2
    deg = jnp.zeros((n_nodes,), dtype=h.dtype).at[dst2].add(1.0)
    dinv = jax.lax.rsqrt(jnp.maximum(deg, 1.0))
    norm = dinv[src2] * dinv[dst2]
    msgs = h[src2] * norm[:, None]
    out = jnp.zeros((n_nodes, h.shape[1]), dtype=h.dtype).at[dst2].add(msgs)
    return out + b


def setup_inputs(seed: int = 0):
    key = jax.random.key(seed)
    k1, k2, k3, k4, k5, k6 = jax.random.split(key, 6)
    x = jax.random.normal(k1, (N, D), dtype=jnp.float32)
    edge_index = jax.random.randint(k2, (2, E), 0, N, dtype=jnp.int32)
    # GCN layer 1: in_dim -> hid_dim ; GCN layer 2: hid_dim -> hid_dim (out_channels=hid_dim)
    W1 = jax.random.normal(k3, (D, H), dtype=jnp.float32) * (1.0 / np.sqrt(D))
    b1 = jnp.zeros((H,), dtype=jnp.float32)
    W2 = jax.random.normal(k4, (H, H), dtype=jnp.float32) * (1.0 / np.sqrt(H))
    b2 = jnp.zeros((H,), dtype=jnp.float32)
    return {"x": x, "edge_index": edge_index, "W1": W1, "b1": b1, "W2": W2, "b2": b2}


def reference(x, edge_index, W1, b1, W2, b2):
    src = edge_index[0]
    dst = edge_index[1]
    # layer 1: conv -> relu (dropout=0.0 / eval mode -> identity)
    h = gcn_conv(x, src, dst, W1, b1, N)
    h = jax.nn.relu(h)
    # layer 2 (final): conv only, no activation
    h = gcn_conv(h, src, dst, W2, b2, N)
    return h


if False:  # reference __main__ guard neutralized (emitter)
    out = reference(**setup_inputs())
    print(out.shape, out.dtype)

if __name__ == "__main__":
    import jax
    _d = setup_inputs()
    print(jax.jit(kernel)(*tuple(_d.values())))

</pallas_src>

<mosaic_0001>
#map = affine_map<(d0, d1) -> (0, 0)>
#map1 = affine_map<(d0, d1) -> (0, 0, 0)>
#map2 = affine_map<(d0, d1) -> (0, 0, 0, 0)>
module attributes {stable_mosaic.version = 14 : i64} {
  func.func @k(%arg0: i32, %arg1: i32, %arg2: memref<10000x128xf32, #tpu.memory_space<hbm>>, %arg3: memref<32x125x80xi32, #tpu.memory_space<hbm>>, %arg4: memref<32x125x80xi32, #tpu.memory_space<hbm>>, %arg5: memref<640x128xf32, #tpu.memory_space<hbm>>, %arg6: memref<2x16x640x128xf32, #tpu.memory_space<hbm>>, %arg7: memref<125x80xi32, #tpu.memory_space<vmem>>, %arg8: memref<125x80xi32, #tpu.memory_space<vmem>>, %arg9: memref<80x128xf32, #tpu.memory_space<vmem>>, %arg10: memref<10240x128xf32, #tpu.memory_space<vmem_shared>>, %arg11: memref<!tpu.dma_semaphore, #tpu.memory_space<semaphore_mem>>) attributes {dimension_semantics = [#tpu.dimension_semantics<core_parallel>, #tpu.dimension_semantics<subcore_parallel>], iteration_bounds = array<i64: 2, 16>, scalar_prefetch = 0 : i64, scratch_operands = 5 : i64, tpu.core_type = #tpu.core_type<sc_vector_subcore>, window_params = [{transform_indices = #map}, {transform_indices = #map1}, {transform_indices = #map1}, {transform_indices = #map}, {transform_indices = #map2}]} {
    %mul3A = arith.constant 16 : i32
    %mul3A_0 = arith.muli %arg0, %mul3A : i32
    %add3A = arith.addi %mul3A_0, %arg1 : i32
    %mul3A_1 = arith.constant 640 : i32
    %mul3A_2 = arith.muli %arg1, %mul3A_1 : i32
    "tpu.region"() ({
      %run_scoped3A = tpu.sem_alloc : memref<!tpu.dma_semaphore, #tpu.memory_space<semaphore_mem>>
      %dma_start3A = arith.constant 0 : i32
      %dma_start3A_11 = tpu.memref_slice %arg10[%mul3A_2, %dma_start3A] : memref<10240x128xf32, #tpu.memory_space<vmem_shared>> -> memref<640x128xf32, #tpu.memory_space<vmem_shared>>
      tpu.enqueue_dma source(%arg5 : memref<640x128xf32, #tpu.memory_space<hbm>>) target(%dma_start3A_11 : memref<640x128xf32, #tpu.memory_space<vmem_shared>>) target_semaphore(%run_scoped3A : memref<!tpu.dma_semaphore, #tpu.memory_space<semaphore_mem>>)
      %dma_wait3A = arith.constant 0 : i32
      %dma_wait3A_12 = tpu.memref_slice %arg10[%mul3A_2, %dma_wait3A] : memref<10240x128xf32, #tpu.memory_space<vmem_shared>> -> memref<640x128xf32, #tpu.memory_space<vmem_shared>>
      tpu.wait_dma2 semaphore(%run_scoped3A : memref<!tpu.dma_semaphore, #tpu.memory_space<semaphore_mem>>) src(%arg5 : memref<640x128xf32, #tpu.memory_space<hbm>>) dst(%dma_wait3A_12 : memref<640x128xf32, #tpu.memory_space<vmem_shared>>)
      tpu.yield
    }) : () -> ()
    "tpu.region"() ({
      %run_scoped3A = tpu.sem_alloc : memref<!tpu.dma_semaphore, #tpu.memory_space<semaphore_mem>>
      %dma_start3A = arith.constant 0 : i32
      %dma_start3A_11 = arith.constant 0 : i32
      %dma_start3A_12 = tpu.memref_slice %arg3[%add3A, %dma_start3A, %dma_start3A_11] : memref<32x125x80xi32, #tpu.memory_space<hbm>> -> memref<1x125x80xi32, #tpu.memory_space<hbm>>
      %dma_start3A_13 = tpu.memref_squeeze %dma_start3A_12 : memref<1x125x80xi32, #tpu.memory_space<hbm>> -> memref<125x80xi32, #tpu.memory_space<hbm>>
      %dma_start3A_14 = arith.constant 0 : i32
      %dma_start3A_15 = arith.constant 0 : i32
      %dma_start3A_16 = tpu.memref_slice %arg3[%add3A, %dma_start3A_14, %dma_start3A_15] : memref<32x125x80xi32, #tpu.memory_space<hbm>> -> memref<1x125x80xi32, #tpu.memory_space<hbm>>
      %dma_start3A_17 = tpu.memref_squeeze %dma_start3A_16 : memref<1x125x80xi32, #tpu.memory_space<hbm>> -> memref<125x80xi32, #tpu.memory_space<hbm>>
      tpu.enqueue_dma source(%dma_start3A_17 : memref<125x80xi32, #tpu.memory_space<hbm>>) target(%arg7 : memref<125x80xi32, #tpu.memory_space<vmem>>) target_semaphore(%run_scoped3A : memref<!tpu.dma_semaphore, #tpu.memory_space<semaphore_mem>>)
      %dma_wait3A = arith.constant 0 : i32
      %dma_wait3A_18 = arith.constant 0 : i32
      %dma_wait3A_19 = tpu.memref_slice %arg3[%add3A, %dma_wait3A, %dma_wait3A_18] : memref<32x125x80xi32, #tpu.memory_space<hbm>> -> memref<1x125x80xi32, #tpu.memory_space<hbm>>
      %dma_wait3A_20 = tpu.memref_squeeze %dma_wait3A_19 : memref<1x125x80xi32, #tpu.memory_space<hbm>> -> memref<125x80xi32, #tpu.memory_space<hbm>>
      %dma_wait3A_21 = arith.constant 0 : i32
      %dma_wait3A_22 = arith.constant 0 : i32
      %dma_wait3A_23 = tpu.memref_slice %arg3[%add3A, %dma_wait3A_21, %dma_wait3A_22] : memref<32x125x80xi32, #tpu.memory_space<hbm>> -> memref<1x125x80xi32, #tpu.memory_space<hbm>>
      %dma_wait3A_24 = tpu.memref_squeeze %dma_wait3A_23 : memref<1x125x80xi32, #tpu.memory_space<hbm>> -> memref<125x80xi32, #tpu.memory_space<hbm>>
      tpu.wait_dma2 semaphore(%run_scoped3A : memref<!tpu.dma_semaphore, #tpu.memory_space<semaphore_mem>>) src(%dma_wait3A_24 : memref<125x80xi32, #tpu.memory_space<hbm>>) dst(%arg7 : memref<125x80xi32, #tpu.memory_space<vmem>>)
      tpu.yield
    }) : () -> ()
    "tpu.region"() ({
      %run_scoped3A = tpu.sem_alloc : memref<!tpu.dma_semaphore, #tpu.memory_space<semaphore_mem>>
      %dma_start3A = arith.constant 0 : i32
      %dma_start3A_11 = arith.constant 0 : i32
      %dma_start3A_12 = tpu.memref_slice %arg4[%add3A, %dma_start3A, %dma_start3A_11] : memref<32x125x80xi32, #tpu.memory_space<hbm>> -> memref<1x125x80xi32, #tpu.memory_space<hbm>>
      %dma_start3A_13 = tpu.memref_squeeze %dma_start3A_12 : memref<1x125x80xi32, #tpu.memory_space<hbm>> -> memref<125x80xi32, #tpu.memory_space<hbm>>
      %dma_start3A_14 = arith.constant 0 : i32
      %dma_start3A_15 = arith.constant 0 : i32
      %dma_start3A_16 = tpu.memref_slice %arg4[%add3A, %dma_start3A_14, %dma_start3A_15] : memref<32x125x80xi32, #tpu.memory_space<hbm>> -> memref<1x125x80xi32, #tpu.memory_space<hbm>>
      %dma_start3A_17 = tpu.memref_squeeze %dma_start3A_16 : memref<1x125x80xi32, #tpu.memory_space<hbm>> -> memref<125x80xi32, #tpu.memory_space<hbm>>
      tpu.enqueue_dma source(%dma_start3A_17 : memref<125x80xi32, #tpu.memory_space<hbm>>) target(%arg8 : memref<125x80xi32, #tpu.memory_space<vmem>>) target_semaphore(%run_scoped3A : memref<!tpu.dma_semaphore, #tpu.memory_space<semaphore_mem>>)
      %dma_wait3A = arith.constant 0 : i32
      %dma_wait3A_18 = arith.constant 0 : i32
      %dma_wait3A_19 = tpu.memref_slice %arg4[%add3A, %dma_wait3A, %dma_wait3A_18] : memref<32x125x80xi32, #tpu.memory_space<hbm>> -> memref<1x125x80xi32, #tpu.memory_space<hbm>>
      %dma_wait3A_20 = tpu.memref_squeeze %dma_wait3A_19 : memref<1x125x80xi32, #tpu.memory_space<hbm>> -> memref<125x80xi32, #tpu.memory_space<hbm>>
      %dma_wait3A_21 = arith.constant 0 : i32
      %dma_wait3A_22 = arith.constant 0 : i32
      %dma_wait3A_23 = tpu.memref_slice %arg4[%add3A, %dma_wait3A_21, %dma_wait3A_22] : memref<32x125x80xi32, #tpu.memory_space<hbm>> -> memref<1x125x80xi32, #tpu.memory_space<hbm>>
      %dma_wait3A_24 = tpu.memref_squeeze %dma_wait3A_23 : memref<1x125x80xi32, #tpu.memory_space<hbm>> -> memref<125x80xi32, #tpu.memory_space<hbm>>
      tpu.wait_dma2 semaphore(%run_scoped3A : memref<!tpu.dma_semaphore, #tpu.memory_space<semaphore_mem>>) src(%dma_wait3A_24 : memref<125x80xi32, #tpu.memory_space<hbm>>) dst(%arg8 : memref<125x80xi32, #tpu.memory_space<vmem>>)
      tpu.yield
    }) : () -> ()
    %barrier3A = arith.constant 0 : index
    tpu.barrier barrier_id(%barrier3A)
    %scan3A = arith.constant 0 : i32
    %scan3A_3 = arith.constant 0 : i32
    %scan3A_4 = arith.constant 125 : i32
    %scan3A_5 = arith.addi %scan3A_3, %scan3A_4 : i32
    %scan3A_6 = arith.constant 1 : i32
    scf.for %scan3A_11 = %scan3A_3 to %scan3A_5 step %scan3A_6  : i32 {
      %dma_start3A = arith.constant 0 : i32
      %dma_start3A_12 = tpu.memref_slice %arg7[%scan3A_11, %dma_start3A] : memref<125x80xi32, #tpu.memory_space<vmem>> -> memref<1x80xi32, #tpu.memory_space<vmem>>
      %dma_start3A_13 = tpu.memref_squeeze %dma_start3A_12 : memref<1x80xi32, #tpu.memory_space<vmem>> -> memref<80xi32, #tpu.memory_space<vmem>>
      %dma_start3A_14 = arith.constant 0 : i32
      %dma_start3A_15 = arith.constant 0 : i32
      %dma_start3A_16 = tpu.memref_slice %arg2[%dma_start3A_14, %dma_start3A_15] : memref<10000x128xf32, #tpu.memory_space<hbm>> -> memref<10000x128xf32, #tpu.memory_space<hbm>>
      tpu.enqueue_indirect_dma source(%dma_start3A_16 : memref<10000x128xf32, #tpu.memory_space<hbm>>) target(%arg9 : memref<80x128xf32, #tpu.memory_space<vmem>>) offsets(%dma_start3A_13 : memref<80xi32, #tpu.memory_space<vmem>>) semaphore(%arg11 : memref<!tpu.dma_semaphore, #tpu.memory_space<semaphore_mem>>)
      %dma_wait3A = arith.constant 0 : i32
      %dma_wait3A_17 = tpu.memref_slice %arg7[%scan3A_11, %dma_wait3A] : memref<125x80xi32, #tpu.memory_space<vmem>> -> memref<1x80xi32, #tpu.memory_space<vmem>>
      %dma_wait3A_18 = tpu.memref_squeeze %dma_wait3A_17 : memref<1x80xi32, #tpu.memory_space<vmem>> -> memref<80xi32, #tpu.memory_space<vmem>>
      %dma_wait3A_19 = arith.constant 0 : i32
      %dma_wait3A_20 = arith.constant 0 : i32
      %dma_wait3A_21 = tpu.memref_slice %arg2[%dma_wait3A_19, %dma_wait3A_20] : memref<10000x128xf32, #tpu.memory_space<hbm>> -> memref<10000x128xf32, #tpu.memory_space<hbm>>
      tpu.wait_indirect_dma semaphore(%arg11 : memref<!tpu.dma_semaphore, #tpu.memory_space<semaphore_mem>>) src(%dma_wait3A_21 : memref<10000x128xf32, #tpu.memory_space<hbm>>) dst(%arg9 : memref<80x128xf32, #tpu.memory_space<vmem>>)
      "tpu.region"() ({
        %run_scoped3A = tpu.sem_alloc : memref<!tpu.dma_semaphore, #tpu.memory_space<semaphore_mem>>
        %dma_start3A_22 = arith.constant 0 : i32
        %dma_start3A_23 = tpu.memref_slice %arg8[%scan3A_11, %dma_start3A_22] : memref<125x80xi32, #tpu.memory_space<vmem>> -> memref<1x80xi32, #tpu.memory_space<vmem>>
        %dma_start3A_24 = tpu.memref_squeeze %dma_start3A_23 : memref<1x80xi32, #tpu.memory_space<vmem>> -> memref<80xi32, #tpu.memory_space<vmem>>
        %dma_start3A_25 = arith.constant 0 : i32
        %dma_start3A_26 = arith.constant 0 : i32
        %dma_start3A_27 = tpu.memref_slice %arg10[%dma_start3A_25, %dma_start3A_26] : memref<10240x128xf32, #tpu.memory_space<vmem_shared>> -> memref<10240x128xf32, #tpu.memory_space<vmem_shared>>
        tpu.enqueue_indirect_dma source(%arg9 : memref<80x128xf32, #tpu.memory_space<vmem>>) target(%dma_start3A_27 : memref<10240x128xf32, #tpu.memory_space<vmem_shared>>) offsets(%dma_start3A_24 : memref<80xi32, #tpu.memory_space<vmem>>) semaphore(%run_scoped3A : memref<!tpu.dma_semaphore, #tpu.memory_space<semaphore_mem>>) {add = true}
        %dma_wait3A_28 = arith.constant 0 : i32
        %dma_wait3A_29 = tpu.memref_slice %arg8[%scan3A_11, %dma_wait3A_28] : memref<125x80xi32, #tpu.memory_space<vmem>> -> memref<1x80xi32, #tpu.memory_space<vmem>>
        %dma_wait3A_30 = tpu.memref_squeeze %dma_wait3A_29 : memref<1x80xi32, #tpu.memory_space<vmem>> -> memref<80xi32, #tpu.memory_space<vmem>>
        %dma_wait3A_31 = arith.constant 0 : i32
        %dma_wait3A_32 = arith.constant 0 : i32
        %dma_wait3A_33 = tpu.memref_slice %arg10[%dma_wait3A_31, %dma_wait3A_32] : memref<10240x128xf32, #tpu.memory_space<vmem_shared>> -> memref<10240x128xf32, #tpu.memory_space<vmem_shared>>
        tpu.wait_indirect_dma semaphore(%run_scoped3A : memref<!tpu.dma_semaphore, #tpu.memory_space<semaphore_mem>>) src(%arg9 : memref<80x128xf32, #tpu.memory_space<vmem>>) dst(%dma_wait3A_33 : memref<10240x128xf32, #tpu.memory_space<vmem_shared>>)
        tpu.yield
      }) : () -> ()
    }
    %scan3A_7 = arith.constant 125 : i32
    %barrier3A_8 = arith.constant 0 : index
    tpu.barrier barrier_id(%barrier3A_8)
    %mul3A_9 = arith.constant 640 : i32
    %mul3A_10 = arith.muli %arg1, %mul3A_9 : i32
    "tpu.region"() ({
      %run_scoped3A = tpu.sem_alloc : memref<!tpu.dma_semaphore, #tpu.memory_space<semaphore_mem>>
      %dma_start3A = arith.constant 0 : i32
      %dma_start3A_11 = arith.constant 0 : i32
      %dma_start3A_12 = tpu.memref_slice %arg6[%arg0, %arg1, %dma_start3A, %dma_start3A_11] : memref<2x16x640x128xf32, #tpu.memory_space<hbm>> -> memref<1x1x640x128xf32, #tpu.memory_space<hbm>>
      %dma_start3A_13 = tpu.memref_squeeze %dma_start3A_12 : memref<1x1x640x128xf32, #tpu.memory_space<hbm>> -> memref<640x128xf32, #tpu.memory_space<hbm>>
      %dma_start3A_14 = arith.constant 0 : i32
      %dma_start3A_15 = tpu.memref_slice %arg10[%mul3A_10, %dma_start3A_14] : memref<10240x128xf32, #tpu.memory_space<vmem_shared>> -> memref<640x128xf32, #tpu.memory_space<vmem_shared>>
      tpu.enqueue_dma source(%dma_start3A_15 : memref<640x128xf32, #tpu.memory_space<vmem_shared>>) target(%dma_start3A_13 : memref<640x128xf32, #tpu.memory_space<hbm>>) target_semaphore(%run_scoped3A : memref<!tpu.dma_semaphore, #tpu.memory_space<semaphore_mem>>)
      %dma_wait3A = arith.constant 0 : i32
      %dma_wait3A_16 = arith.constant 0 : i32
      %dma_wait3A_17 = tpu.memref_slice %arg6[%arg0, %arg1, %dma_wait3A, %dma_wait3A_16] : memref<2x16x640x128xf32, #tpu.memory_space<hbm>> -> memref<1x1x640x128xf32, #tpu.memory_space<hbm>>
      %dma_wait3A_18 = tpu.memref_squeeze %dma_wait3A_17 : memref<1x1x640x128xf32, #tpu.memory_space<hbm>> -> memref<640x128xf32, #tpu.memory_space<hbm>>
      %dma_wait3A_19 = arith.constant 0 : i32
      %dma_wait3A_20 = tpu.memref_slice %arg10[%mul3A_10, %dma_wait3A_19] : memref<10240x128xf32, #tpu.memory_space<vmem_shared>> -> memref<640x128xf32, #tpu.memory_space<vmem_shared>>
      tpu.wait_dma2 semaphore(%run_scoped3A : memref<!tpu.dma_semaphore, #tpu.memory_space<semaphore_mem>>) src(%dma_wait3A_20 : memref<640x128xf32, #tpu.memory_space<vmem_shared>>) dst(%dma_wait3A_18 : memref<640x128xf32, #tpu.memory_space<hbm>>)
      tpu.yield
    }) : () -> ()
    return
  }
}

#map = affine_map<(d0, d1) -> (0, 0)>
#map1 = affine_map<(d0, d1) -> (0, 0, 0)>
#map2 = affine_map<(d0, d1) -> (0, 0, 0, 0)>
module attributes {stable_mosaic.version = 14 : i64} {
  func.func @k(%arg0: i32, %arg1: i32, %arg2: memref<10000x128xf32, #tpu.memory_space<hbm>>, %arg3: memref<32x125x80xi32, #tpu.memory_space<hbm>>, %arg4: memref<32x125x80xi32, #tpu.memory_space<hbm>>, %arg5: memref<640x128xf32, #tpu.memory_space<hbm>>, %arg6: memref<2x16x640x128xf32, #tpu.memory_space<hbm>>, %arg7: memref<125x80xi32, #tpu.memory_space<vmem>>, %arg8: memref<125x80xi32, #tpu.memory_space<vmem>>, %arg9: memref<80x128xf32, #tpu.memory_space<vmem>>, %arg10: memref<10240x128xf32, #tpu.memory_space<vmem_shared>>, %arg11: memref<!tpu.dma_semaphore, #tpu.memory_space<semaphore_mem>>) attributes {dimension_semantics = [#tpu.dimension_semantics<core_parallel>, #tpu.dimension_semantics<subcore_parallel>], iteration_bounds = array<i64: 2, 16>, scalar_prefetch = 0 : i64, scratch_operands = 5 : i64, tpu.core_type = #tpu.core_type<sc_vector_subcore>, window_params = [{transform_indices = #map}, {transform_indices = #map1}, {transform_indices = #map1}, {transform_indices = #map}, {transform_indices = #map2}]} {
    %mul3A = arith.constant 16 : i32
    %mul3A_0 = arith.muli %arg0, %mul3A : i32
    %add3A = arith.addi %mul3A_0, %arg1 : i32
    %mul3A_1 = arith.constant 640 : i32
    %mul3A_2 = arith.muli %arg1, %mul3A_1 : i32
    "tpu.region"() ({
      %run_scoped3A = tpu.sem_alloc : memref<!tpu.dma_semaphore, #tpu.memory_space<semaphore_mem>>
      %dma_start3A = arith.constant 0 : i32
      %dma_start3A_11 = tpu.memref_slice %arg10[%mul3A_2, %dma_start3A] : memref<10240x128xf32, #tpu.memory_space<vmem_shared>> -> memref<640x128xf32, #tpu.memory_space<vmem_shared>>
      tpu.enqueue_dma source(%arg5 : memref<640x128xf32, #tpu.memory_space<hbm>>) target(%dma_start3A_11 : memref<640x128xf32, #tpu.memory_space<vmem_shared>>) target_semaphore(%run_scoped3A : memref<!tpu.dma_semaphore, #tpu.memory_space<semaphore_mem>>)
      %dma_wait3A = arith.constant 0 : i32
      %dma_wait3A_12 = tpu.memref_slice %arg10[%mul3A_2, %dma_wait3A] : memref<10240x128xf32, #tpu.memory_space<vmem_shared>> -> memref<640x128xf32, #tpu.memory_space<vmem_shared>>
      tpu.wait_dma2 semaphore(%run_scoped3A : memref<!tpu.dma_semaphore, #tpu.memory_space<semaphore_mem>>) src(%arg5 : memref<640x128xf32, #tpu.memory_space<hbm>>) dst(%dma_wait3A_12 : memref<640x128xf32, #tpu.memory_space<vmem_shared>>)
      tpu.yield
    }) : () -> ()
    "tpu.region"() ({
      %run_scoped3A = tpu.sem_alloc : memref<!tpu.dma_semaphore, #tpu.memory_space<semaphore_mem>>
      %dma_start3A = arith.constant 0 : i32
      %dma_start3A_11 = arith.constant 0 : i32
      %dma_start3A_12 = tpu.memref_slice %arg3[%add3A, %dma_start3A, %dma_start3A_11] : memref<32x125x80xi32, #tpu.memory_space<hbm>> -> memref<1x125x80xi32, #tpu.memory_space<hbm>>
      %dma_start3A_13 = tpu.memref_squeeze %dma_start3A_12 : memref<1x125x80xi32, #tpu.memory_space<hbm>> -> memref<125x80xi32, #tpu.memory_space<hbm>>
      %dma_start3A_14 = arith.constant 0 : i32
      %dma_start3A_15 = arith.constant 0 : i32
      %dma_start3A_16 = tpu.memref_slice %arg3[%add3A, %dma_start3A_14, %dma_start3A_15] : memref<32x125x80xi32, #tpu.memory_space<hbm>> -> memref<1x125x80xi32, #tpu.memory_space<hbm>>
      %dma_start3A_17 = tpu.memref_squeeze %dma_start3A_16 : memref<1x125x80xi32, #tpu.memory_space<hbm>> -> memref<125x80xi32, #tpu.memory_space<hbm>>
      tpu.enqueue_dma source(%dma_start3A_17 : memref<125x80xi32, #tpu.memory_space<hbm>>) target(%arg7 : memref<125x80xi32, #tpu.memory_space<vmem>>) target_semaphore(%run_scoped3A : memref<!tpu.dma_semaphore, #tpu.memory_space<semaphore_mem>>)
      %dma_wait3A = arith.constant 0 : i32
      %dma_wait3A_18 = arith.constant 0 : i32
      %dma_wait3A_19 = tpu.memref_slice %arg3[%add3A, %dma_wait3A, %dma_wait3A_18] : memref<32x125x80xi32, #tpu.memory_space<hbm>> -> memref<1x125x80xi32, #tpu.memory_space<hbm>>
      %dma_wait3A_20 = tpu.memref_squeeze %dma_wait3A_19 : memref<1x125x80xi32, #tpu.memory_space<hbm>> -> memref<125x80xi32, #tpu.memory_space<hbm>>
      %dma_wait3A_21 = arith.constant 0 : i32
      %dma_wait3A_22 = arith.constant 0 : i32
      %dma_wait3A_23 = tpu.memref_slice %arg3[%add3A, %dma_wait3A_21, %dma_wait3A_22] : memref<32x125x80xi32, #tpu.memory_space<hbm>> -> memref<1x125x80xi32, #tpu.memory_space<hbm>>
      %dma_wait3A_24 = tpu.memref_squeeze %dma_wait3A_23 : memref<1x125x80xi32, #tpu.memory_space<hbm>> -> memref<125x80xi32, #tpu.memory_space<hbm>>
      tpu.wait_dma2 semaphore(%run_scoped3A : memref<!tpu.dma_semaphore, #tpu.memory_space<semaphore_mem>>) src(%dma_wait3A_24 : memref<125x80xi32, #tpu.memory_space<hbm>>) dst(%arg7 : memref<125x80xi32, #tpu.memory_space<vmem>>)
      tpu.yield
    }) : () -> ()
    "tpu.region"() ({
      %run_scoped3A = tpu.sem_alloc : memref<!tpu.dma_semaphore, #tpu.memory_space<semaphore_mem>>
      %dma_start3A = arith.constant 0 : i32
      %dma_start3A_11 = arith.constant 0 : i32
      %dma_start3A_12 = tpu.memref_slice %arg4[%add3A, %dma_start3A, %dma_start3A_11] : memref<32x125x80xi32, #tpu.memory_space<hbm>> -> memref<1x125x80xi32, #tpu.memory_space<hbm>>
      %dma_start3A_13 = tpu.memref_squeeze %dma_start3A_12 : memref<1x125x80xi32, #tpu.memory_space<hbm>> -> memref<125x80xi32, #tpu.memory_space<hbm>>
      %dma_start3A_14 = arith.constant 0 : i32
      %dma_start3A_15 = arith.constant 0 : i32
      %dma_start3A_16 = tpu.memref_slice %arg4[%add3A, %dma_start3A_14, %dma_start3A_15] : memref<32x125x80xi32, #tpu.memory_space<hbm>> -> memref<1x125x80xi32, #tpu.memory_space<hbm>>
      %dma_start3A_17 = tpu.memref_squeeze %dma_start3A_16 : memref<1x125x80xi32, #tpu.memory_space<hbm>> -> memref<125x80xi32, #tpu.memory_space<hbm>>
      tpu.enqueue_dma source(%dma_start3A_17 : memref<125x80xi32, #tpu.memory_space<hbm>>) target(%arg8 : memref<125x80xi32, #tpu.memory_space<vmem>>) target_semaphore(%run_scoped3A : memref<!tpu.dma_semaphore, #tpu.memory_space<semaphore_mem>>)
      %dma_wait3A = arith.constant 0 : i32
      %dma_wait3A_18 = arith.constant 0 : i32
      %dma_wait3A_19 = tpu.memref_slice %arg4[%add3A, %dma_wait3A, %dma_wait3A_18] : memref<32x125x80xi32, #tpu.memory_space<hbm>> -> memref<1x125x80xi32, #tpu.memory_space<hbm>>
      %dma_wait3A_20 = tpu.memref_squeeze %dma_wait3A_19 : memref<1x125x80xi32, #tpu.memory_space<hbm>> -> memref<125x80xi32, #tpu.memory_space<hbm>>
      %dma_wait3A_21 = arith.constant 0 : i32
      %dma_wait3A_22 = arith.constant 0 : i32
      %dma_wait3A_23 = tpu.memref_slice %arg4[%add3A, %dma_wait3A_21, %dma_wait3A_22] : memref<32x125x80xi32, #tpu.memory_space<hbm>> -> memref<1x125x80xi32, #tpu.memory_space<hbm>>
      %dma_wait3A_24 = tpu.memref_squeeze %dma_wait3A_23 : memref<1x125x80xi32, #tpu.memory_space<hbm>> -> memref<125x80xi32, #tpu.memory_space<hbm>>
      tpu.wait_dma2 semaphore(%run_scoped3A : memref<!tpu.dma_semaphore, #tpu.memory_space<semaphore_mem>>) src(%dma_wait3A_24 : memref<125x80xi32, #tpu.memory_space<hbm>>) dst(%arg8 : memref<125x80xi32, #tpu.memory_space<vmem>>)
      tpu.yield
    }) : () -> ()
    %barrier3A = arith.constant 0 : index
    tpu.barrier barrier_id(%barrier3A)
    %scan3A = arith.constant 0 : i32
    %scan3A_3 = arith.constant 0 : i32
    %scan3A_4 = arith.constant 125 : i32
    %scan3A_5 = arith.addi %scan3A_3, %scan3A_4 : i32
    %scan3A_6 = arith.constant 1 : i32
    scf.for %scan3A_11 = %scan3A_3 to %scan3A_5 step %scan3A_6  : i32 {
      %dma_start3A = arith.constant 0 : i32
      %dma_start3A_12 = tpu.memref_slice %arg7[%scan3A_11, %dma_start3A] : memref<125x80xi32, #tpu.memory_space<vmem>> -> memref<1x80xi32, #tpu.memory_space<vmem>>
      %dma_start3A_13 = tpu.memref_squeeze %dma_start3A_12 : memref<1x80xi32, #tpu.memory_space<vmem>> -> memref<80xi32, #tpu.memory_space<vmem>>
      %dma_start3A_14 = arith.constant 0 : i32
      %dma_start3A_15 = arith.constant 0 : i32
      %dma_start3A_16 = tpu.memref_slice %arg2[%dma_start3A_14, %dma_start3A_15] : memref<10000x128xf32, #tpu.memory_space<hbm>> -> memref<10000x128xf32, #tpu.memory_space<hbm>>
      tpu.enqueue_indirect_dma source(%dma_start3A_16 : memref<10000x128xf32, #tpu.memory_space<hbm>>) target(%arg9 : memref<80x128xf32, #tpu.memory_space<vmem>>) offsets(%dma_start3A_13 : memref<80xi32, #tpu.memory_space<vmem>>) semaphore(%arg11 : memref<!tpu.dma_semaphore, #tpu.memory_space<semaphore_mem>>)
      %dma_wait3A = arith.constant 0 : i32
      %dma_wait3A_17 = tpu.memref_slice %arg7[%scan3A_11, %dma_wait3A] : memref<125x80xi32, #tpu.memory_space<vmem>> -> memref<1x80xi32, #tpu.memory_space<vmem>>
      %dma_wait3A_18 = tpu.memref_squeeze %dma_wait3A_17 : memref<1x80xi32, #tpu.memory_space<vmem>> -> memref<80xi32, #tpu.memory_space<vmem>>
      %dma_wait3A_19 = arith.constant 0 : i32
      %dma_wait3A_20 = arith.constant 0 : i32
      %dma_wait3A_21 = tpu.memref_slice %arg2[%dma_wait3A_19, %dma_wait3A_20] : memref<10000x128xf32, #tpu.memory_space<hbm>> -> memref<10000x128xf32, #tpu.memory_space<hbm>>
      tpu.wait_indirect_dma semaphore(%arg11 : memref<!tpu.dma_semaphore, #tpu.memory_space<semaphore_mem>>) src(%dma_wait3A_21 : memref<10000x128xf32, #tpu.memory_space<hbm>>) dst(%arg9 : memref<80x128xf32, #tpu.memory_space<vmem>>)
      "tpu.region"() ({
        %run_scoped3A = tpu.sem_alloc : memref<!tpu.dma_semaphore, #tpu.memory_space<semaphore_mem>>
        %dma_start3A_22 = arith.constant 0 : i32
        %dma_start3A_23 = tpu.memref_slice %arg8[%scan3A_11, %dma_start3A_22] : memref<125x80xi32, #tpu.memory_space<vmem>> -> memref<1x80xi32, #tpu.memory_space<vmem>>
        %dma_start3A_24 = tpu.memref_squeeze %dma_start3A_23 : memref<1x80xi32, #tpu.memory_space<vmem>> -> memref<80xi32, #tpu.memory_space<vmem>>
        %dma_start3A_25 = arith.constant 0 : i32
        %dma_start3A_26 = arith.constant 0 : i32
        %dma_start3A_27 = tpu.memref_slice %arg10[%dma_start3A_25, %dma_start3A_26] : memref<10240x128xf32, #tpu.memory_space<vmem_shared>> -> memref<10240x128xf32, #tpu.memory_space<vmem_shared>>
        tpu.enqueue_indirect_dma source(%arg9 : memref<80x128xf32, #tpu.memory_space<vmem>>) target(%dma_start3A_27 : memref<10240x128xf32, #tpu.memory_space<vmem_shared>>) offsets(%dma_start3A_24 : memref<80xi32, #tpu.memory_space<vmem>>) semaphore(%run_scoped3A : memref<!tpu.dma_semaphore, #tpu.memory_space<semaphore_mem>>) {add = true}
        %dma_wait3A_28 = arith.constant 0 : i32
        %dma_wait3A_29 = tpu.memref_slice %arg8[%scan3A_11, %dma_wait3A_28] : memref<125x80xi32, #tpu.memory_space<vmem>> -> memref<1x80xi32, #tpu.memory_space<vmem>>
        %dma_wait3A_30 = tpu.memref_squeeze %dma_wait3A_29 : memref<1x80xi32, #tpu.memory_space<vmem>> -> memref<80xi32, #tpu.memory_space<vmem>>
        %dma_wait3A_31 = arith.constant 0 : i32
        %dma_wait3A_32 = arith.constant 0 : i32
        %dma_wait3A_33 = tpu.memref_slice %arg10[%dma_wait3A_31, %dma_wait3A_32] : memref<10240x128xf32, #tpu.memory_space<vmem_shared>> -> memref<10240x128xf32, #tpu.memory_space<vmem_shared>>
        tpu.wait_indirect_dma semaphore(%run_scoped3A : memref<!tpu.dma_semaphore, #tpu.memory_space<semaphore_mem>>) src(%arg9 : memref<80x128xf32, #tpu.memory_space<vmem>>) dst(%dma_wait3A_33 : memref<10240x128xf32, #tpu.memory_space<vmem_shared>>)
        tpu.yield
      }) : () -> ()
    }
    %scan3A_7 = arith.constant 125 : i32
    %barrier3A_8 = arith.constant 0 : index
    tpu.barrier barrier_id(%barrier3A_8)
    %mul3A_9 = arith.constant 640 : i32
    %mul3A_10 = arith.muli %arg1, %mul3A_9 : i32
    "tpu.region"() ({
      %run_scoped3A = tpu.sem_alloc : memref<!tpu.dma_semaphore, #tpu.memory_space<semaphore_mem>>
      %dma_start3A = arith.constant 0 : i32
      %dma_start3A_11 = arith.constant 0 : i32
      %dma_start3A_12 = tpu.memref_slice %arg6[%arg0, %arg1, %dma_start3A, %dma_start3A_11] : memref<2x16x640x128xf32, #tpu.memory_space<hbm>> -> memref<1x1x640x128xf32, #tpu.memory_space<hbm>>
      %dma_start3A_13 = tpu.memref_squeeze %dma_start3A_12 : memref<1x1x640x128xf32, #tpu.memory_space<hbm>> -> memref<640x128xf32, #tpu.memory_space<hbm>>
      %dma_start3A_14 = arith.constant 0 : i32
      %dma_start3A_15 = tpu.memref_slice %arg10[%mul3A_10, %dma_start3A_14] : memref<10240x128xf32, #tpu.memory_space<vmem_shared>> -> memref<640x128xf32, #tpu.memory_space<vmem_shared>>
      tpu.enqueue_dma source(%dma_start3A_15 : memref<640x128xf32, #tpu.memory_space<vmem_shared>>) target(%dma_start3A_13 : memref<640x128xf32, #tpu.memory_space<hbm>>) target_semaphore(%run_scoped3A : memref<!tpu.dma_semaphore, #tpu.memory_space<semaphore_mem>>)
      %dma_wait3A = arith.constant 0 : i32
      %dma_wait3A_16 = arith.constant 0 : i32
      %dma_wait3A_17 = tpu.memref_slice %arg6[%arg0, %arg1, %dma_wait3A, %dma_wait3A_16] : memref<2x16x640x128xf32, #tpu.memory_space<hbm>> -> memref<1x1x640x128xf32, #tpu.memory_space<hbm>>
      %dma_wait3A_18 = tpu.memref_squeeze %dma_wait3A_17 : memref<1x1x640x128xf32, #tpu.memory_space<hbm>> -> memref<640x128xf32, #tpu.memory_space<hbm>>
      %dma_wait3A_19 = arith.constant 0 : i32
      %dma_wait3A_20 = tpu.memref_slice %arg10[%mul3A_10, %dma_wait3A_19] : memref<10240x128xf32, #tpu.memory_space<vmem_shared>> -> memref<640x128xf32, #tpu.memory_space<vmem_shared>>
      tpu.wait_dma2 semaphore(%run_scoped3A : memref<!tpu.dma_semaphore, #tpu.memory_space<semaphore_mem>>) src(%dma_wait3A_20 : memref<640x128xf32, #tpu.memory_space<vmem_shared>>) dst(%dma_wait3A_18 : memref<640x128xf32, #tpu.memory_space<hbm>>)
      tpu.yield
    }) : () -> ()
    return
  }
}

#map = affine_map<(d0, d1) -> (0, 0, 0)>
#map1 = affine_map<(d0, d1) -> (0)>
module attributes {stable_mosaic.version = 14 : i64} {
  func.func @k(%arg0: i32, %arg1: i32, %arg2: memref<32x125x80xi32, #tpu.memory_space<hbm>>, %arg3: memref<640xf32, #tpu.memory_space<hbm>>, %arg4: memref<2x16x640xf32, #tpu.memory_space<hbm>>, %arg5: memref<125x80xi32, #tpu.memory_space<vmem>>, %arg6: memref<80xf32, #tpu.memory_space<vmem>>, %arg7: memref<10240xf32, #tpu.memory_space<vmem_shared>>) attributes {dimension_semantics = [#tpu.dimension_semantics<core_parallel>, #tpu.dimension_semantics<subcore_parallel>], iteration_bounds = array<i64: 2, 16>, scalar_prefetch = 0 : i64, scratch_operands = 3 : i64, tpu.core_type = #tpu.core_type<sc_vector_subcore>, window_params = [{transform_indices = #map}, {transform_indices = #map1}, {transform_indices = #map}]} {
    %mul3A = arith.constant 16 : i32
    %mul3A_0 = arith.muli %arg0, %mul3A : i32
    %add3A = arith.addi %mul3A_0, %arg1 : i32
    %broadcast_in_dim3A = arith.constant 1.000000e+00 : f32
    %broadcast_in_dim3A_1 = vector.broadcast %broadcast_in_dim3A : f32 to vector<16xf32>
    %swap3A = arith.constant 0 : index
    %swap3A_2 = tpu.vector_load %arg6[%swap3A] {strides = array<i32>} : memref<80xf32, #tpu.memory_space<vmem>>, vector<16xf32>,
    %swap3A_3 = vector.shape_cast %swap3A_2 : vector<16xf32> to vector<16xf32>
    %swap3A_4 = vector.shape_cast %broadcast_in_dim3A_1 : vector<16xf32> to vector<16xf32>
    tpu.vector_store %arg6[%swap3A], %swap3A_4 {strides = array<i32>} : memref<80xf32, #tpu.memory_space<vmem>>, vector<16xf32>,
    %broadcast_in_dim3A_5 = arith.constant 1.000000e+00 : f32
    %broadcast_in_dim3A_6 = vector.broadcast %broadcast_in_dim3A_5 : f32 to vector<16xf32>
    %swap3A_7 = arith.constant 16 : index
    %swap3A_8 = tpu.vector_load %arg6[%swap3A_7] {strides = array<i32>} : memref<80xf32, #tpu.memory_space<vmem>>, vector<16xf32>,
    %swap3A_9 = vector.shape_cast %swap3A_8 : vector<16xf32> to vector<16xf32>
    %swap3A_10 = vector.shape_cast %broadcast_in_dim3A_6 : vector<16xf32> to vector<16xf32>
    tpu.vector_store %arg6[%swap3A_7], %swap3A_10 {strides = array<i32>} : memref<80xf32, #tpu.memory_space<vmem>>, vector<16xf32>,
    %broadcast_in_dim3A_11 = arith.constant 1.000000e+00 : f32
    %broadcast_in_dim3A_12 = vector.broadcast %broadcast_in_dim3A_11 : f32 to vector<16xf32>
    %swap3A_13 = arith.constant 32 : index
    %swap3A_14 = tpu.vector_load %arg6[%swap3A_13] {strides = array<i32>} : memref<80xf32, #tpu.memory_space<vmem>>, vector<16xf32>,
    %swap3A_15 = vector.shape_cast %swap3A_14 : vector<16xf32> to vector<16xf32>
    %swap3A_16 = vector.shape_cast %broadcast_in_dim3A_12 : vector<16xf32> to vector<16xf32>
    tpu.vector_store %arg6[%swap3A_13], %swap3A_16 {strides = array<i32>} : memref<80xf32, #tpu.memory_space<vmem>>, vector<16xf32>,
    %broadcast_in_dim3A_17 = arith.constant 1.000000e+00 : f32
    %broadcast_in_dim3A_18 = vector.broadcast %broadcast_in_dim3A_17 : f32 to vector<16xf32>
    %swap3A_19 = arith.constant 48 : index
    %swap3A_20 = tpu.vector_load %arg6[%swap3A_19] {strides = array<i32>} : memref<80xf32, #tpu.memory_space<vmem>>, vector<16xf32>,
    %swap3A_21 = vector.shape_cast %swap3A_20 : vector<16xf32> to vector<16xf32>
    %swap3A_22 = vector.shape_cast %broadcast_in_dim3A_18 : vector<16xf32> to vector<16xf32>
    tpu.vector_store %arg6[%swap3A_19], %swap3A_22 {strides = array<i32>} : memref<80xf32, #tpu.memory_space<vmem>>, vector<16xf32>,
    %broadcast_in_dim3A_23 = arith.constant 1.000000e+00 : f32
    %broadcast_in_dim3A_24 = vector.broadcast %broadcast_in_dim3A_23 : f32 to vector<16xf32>
    %swap3A_25 = arith.constant 64 : index
    %swap3A_26 = tpu.vector_load %arg6[%swap3A_25] {strides = array<i32>} : memref<80xf32, #tpu.memory_space<vmem>>, vector<16xf32>,
    %swap3A_27 = vector.shape_cast %swap3A_26 : vector<16xf32> to vector<16xf32>
    %swap3A_28 = vector.shape_cast %broadcast_in_dim3A_24 : vector<16xf32> to vector<16xf32>
    tpu.vector_store %arg6[%swap3A_25], %swap3A_28 {strides = array<i32>} : memref<80xf32, #tpu.memory_space<vmem>>, vector<16xf32>,
    %mul3A_29 = arith.constant 640 : i32
    %mul3A_30 = arith.muli %arg1, %mul3A_29 : i32
    "tpu.region"() ({
      %run_scoped3A = tpu.sem_alloc : memref<!tpu.dma_semaphore, #tpu.memory_space<semaphore_mem>>
      %dma_start3A = tpu.memref_slice %arg7[%mul3A_30] : memref<10240xf32, #tpu.memory_space<vmem_shared>> -> memref<640xf32, #tpu.memory_space<vmem_shared>>
      tpu.enqueue_dma source(%arg3 : memref<640xf32, #tpu.memory_space<hbm>>) target(%dma_start3A : memref<640xf32, #tpu.memory_space<vmem_shared>>) target_semaphore(%run_scoped3A : memref<!tpu.dma_semaphore, #tpu.memory_space<semaphore_mem>>)
      %dma_wait3A = tpu.memref_slice %arg7[%mul3A_30] : memref<10240xf32, #tpu.memory_space<vmem_shared>> -> memref<640xf32, #tpu.memory_space<vmem_shared>>
      tpu.wait_dma2 semaphore(%run_scoped3A : memref<!tpu.dma_semaphore, #tpu.memory_space<semaphore_mem>>) src(%arg3 : memref<640xf32, #tpu.memory_space<hbm>>) dst(%dma_wait3A : memref<640xf32, #tpu.memory_space<vmem_shared>>)
      tpu.yield
    }) : () -> ()
    "tpu.region"() ({
      %run_scoped3A = tpu.sem_alloc : memref<!tpu.dma_semaphore, #tpu.memory_space<semaphore_mem>>
      %dma_start3A = arith.constant 0 : i32
      %dma_start3A_39 = arith.constant 0 : i32
      %dma_start3A_40 = tpu.memref_slice %arg2[%add3A, %dma_start3A, %dma_start3A_39] : memref<32x125x80xi32, #tpu.memory_space<hbm>> -> memref<1x125x80xi32, #tpu.memory_space<hbm>>
      %dma_start3A_41 = tpu.memref_squeeze %dma_start3A_40 : memref<1x125x80xi32, #tpu.memory_space<hbm>> -> memref<125x80xi32, #tpu.memory_space<hbm>>
      %dma_start3A_42 = arith.constant 0 : i32
      %dma_start3A_43 = arith.constant 0 : i32
      %dma_start3A_44 = tpu.memref_slice %arg2[%add3A, %dma_start3A_42, %dma_start3A_43] : memref<32x125x80xi32, #tpu.memory_space<hbm>> -> memref<1x125x80xi32, #tpu.memory_space<hbm>>
      %dma_start3A_45 = tpu.memref_squeeze %dma_start3A_44 : memref<1x125x80xi32, #tpu.memory_space<hbm>> -> memref<125x80xi32, #tpu.memory_space<hbm>>
      tpu.enqueue_dma source(%dma_start3A_45 : memref<125x80xi32, #tpu.memory_space<hbm>>) target(%arg5 : memref<125x80xi32, #tpu.memory_space<vmem>>) target_semaphore(%run_scoped3A : memref<!tpu.dma_semaphore, #tpu.memory_space<semaphore_mem>>)
      %dma_wait3A = arith.constant 0 : i32
      %dma_wait3A_46 = arith.constant 0 : i32
      %dma_wait3A_47 = tpu.memref_slice %arg2[%add3A, %dma_wait3A, %dma_wait3A_46] : memref<32x125x80xi32, #tpu.memory_space<hbm>> -> memref<1x125x80xi32, #tpu.memory_space<hbm>>
      %dma_wait3A_48 = tpu.memref_squeeze %dma_wait3A_47 : memref<1x125x80xi32, #tpu.memory_space<hbm>> -> memref<125x80xi32, #tpu.memory_space<hbm>>
      %dma_wait3A_49 = arith.constant 0 : i32
      %dma_wait3A_50 = arith.constant 0 : i32
      %dma_wait3A_51 = tpu.memref_slice %arg2[%add3A, %dma_wait3A_49, %dma_wait3A_50] : memref<32x125x80xi32, #tpu.memory_space<hbm>> -> memref<1x125x80xi32, #tpu.memory_space<hbm>>
      %dma_wait3A_52 = tpu.memref_squeeze %dma_wait3A_51 : memref<1x125x80xi32, #tpu.memory_space<hbm>> -> memref<125x80xi32, #tpu.memory_space<hbm>>
      tpu.wait_dma2 semaphore(%run_scoped3A : memref<!tpu.dma_semaphore, #tpu.memory_space<semaphore_mem>>) src(%dma_wait3A_52 : memref<125x80xi32, #tpu.memory_space<hbm>>) dst(%arg5 : memref<125x80xi32, #tpu.memory_space<vmem>>)
      tpu.yield
    }) : () -> ()
    %barrier3A = arith.constant 0 : index
    tpu.barrier barrier_id(%barrier3A)
    %scan3A = arith.constant 0 : i32
    %scan3A_31 = arith.constant 0 : i32
    %scan3A_32 = arith.constant 125 : i32
    %scan3A_33 = arith.addi %scan3A_31, %scan3A_32 : i32
    %scan3A_34 = arith.constant 1 : i32
    scf.for %scan3A_39 = %scan3A_31 to %scan3A_33 step %scan3A_34  : i32 {
      "tpu.region"() ({
        %run_scoped3A = tpu.sem_alloc : memref<!tpu.dma_semaphore, #tpu.memory_space<semaphore_mem>>
        %dma_start3A = arith.constant 0 : i32
        %dma_start3A_40 = tpu.memref_slice %arg5[%scan3A_39, %dma_start3A] : memref<125x80xi32, #tpu.memory_space<vmem>> -> memref<1x80xi32, #tpu.memory_space<vmem>>
        %dma_start3A_41 = tpu.memref_squeeze %dma_start3A_40 : memref<1x80xi32, #tpu.memory_space<vmem>> -> memref<80xi32, #tpu.memory_space<vmem>>
        %dma_start3A_42 = arith.constant 0 : i32
        %dma_start3A_43 = tpu.memref_slice %arg7[%dma_start3A_42] : memref<10240xf32, #tpu.memory_space<vmem_shared>> -> memref<10240xf32, #tpu.memory_space<vmem_shared>>
        tpu.enqueue_indirect_dma source(%arg6 : memref<80xf32, #tpu.memory_space<vmem>>) target(%dma_start3A_43 : memref<10240xf32, #tpu.memory_space<vmem_shared>>) offsets(%dma_start3A_41 : memref<80xi32, #tpu.memory_space<vmem>>) semaphore(%run_scoped3A : memref<!tpu.dma_semaphore, #tpu.memory_space<semaphore_mem>>) {add = true}
        %dma_wait3A = arith.constant 0 : i32
        %dma_wait3A_44 = tpu.memref_slice %arg5[%scan3A_39, %dma_wait3A] : memref<125x80xi32, #tpu.memory_space<vmem>> -> memref<1x80xi32, #tpu.memory_space<vmem>>
        %dma_wait3A_45 = tpu.memref_squeeze %dma_wait3A_44 : memref<1x80xi32, #tpu.memory_space<vmem>> -> memref<80xi32, #tpu.memory_space<vmem>>
        %dma_wait3A_46 = arith.constant 0 : i32
        %dma_wait3A_47 = tpu.memref_slice %arg7[%dma_wait3A_46] : memref<10240xf32, #tpu.memory_space<vmem_shared>> -> memref<10240xf32, #tpu.memory_space<vmem_shared>>
        tpu.wait_indirect_dma semaphore(%run_scoped3A : memref<!tpu.dma_semaphore, #tpu.memory_space<semaphore_mem>>) src(%arg6 : memref<80xf32, #tpu.memory_space<vmem>>) dst(%dma_wait3A_47 : memref<10240xf32, #tpu.memory_space<vmem_shared>>)
        tpu.yield
      }) : () -> ()
    }
    %scan3A_35 = arith.constant 125 : i32
    %barrier3A_36 = arith.constant 0 : index
    tpu.barrier barrier_id(%barrier3A_36)
    %mul3A_37 = arith.constant 640 : i32
    %mul3A_38 = arith.muli %arg1, %mul3A_37 : i32
    "tpu.region"() ({
      %run_scoped3A = tpu.sem_alloc : memref<!tpu.dma_semaphore, #tpu.memory_space<semaphore_mem>>
      %dma_start3A = arith.constant 0 : i32
      %dma_start3A_39 = tpu.memref_slice %arg4[%arg0, %arg1, %dma_start3A] : memref<2x16x640xf32, #tpu.memory_space<hbm>> -> memref<1x1x640xf32, #tpu.memory_space<hbm>>
      %dma_start3A_40 = tpu.memref_squeeze %dma_start3A_39 : memref<1x1x640xf32, #tpu.memory_space<hbm>> -> memref<640xf32, #tpu.memory_space<hbm>>
      %dma_start3A_41 = tpu.memref_slice %arg7[%mul3A_38] : memref<10240xf32, #tpu.memory_space<vmem_shared>> -> memref<640xf32, #tpu.memory_space<vmem_shared>>
      tpu.enqueue_dma source(%dma_start3A_41 : memref<640xf32, #tpu.memory_space<vmem_shared>>) target(%dma_start3A_40 : memref<640xf32, #tpu.memory_space<hbm>>) target_semaphore(%run_scoped3A : memref<!tpu.dma_semaphore, #tpu.memory_space<semaphore_mem>>)
      %dma_wait3A = arith.constant 0 : i32
      %dma_wait3A_42 = tpu.memref_slice %arg4[%arg0, %arg1, %dma_wait3A] : memref<2x16x640xf32, #tpu.memory_space<hbm>> -> memref<1x1x640xf32, #tpu.memory_space<hbm>>
      %dma_wait3A_43 = tpu.memref_squeeze %dma_wait3A_42 : memref<1x1x640xf32, #tpu.memory_space<hbm>> -> memref<640xf32, #tpu.memory_space<hbm>>
      %dma_wait3A_44 = tpu.memref_slice %arg7[%mul3A_38] : memref<10240xf32, #tpu.memory_space<vmem_shared>> -> memref<640xf32, #tpu.memory_space<vmem_shared>>
      tpu.wait_dma2 semaphore(%run_scoped3A : memref<!tpu.dma_semaphore, #tpu.memory_space<semaphore_mem>>) src(%dma_wait3A_44 : memref<640xf32, #tpu.memory_space<vmem_shared>>) dst(%dma_wait3A_43 : memref<640xf32, #tpu.memory_space<hbm>>)
      tpu.yield
    }) : () -> ()
    return
  }
}

module attributes {stable_mosaic.version = 14 : i64} {
  func.func @_tc1_body(%arg0: i32, %arg1: memref<1280x128xf32, #tpu.memory_space<vmem>>, %arg2: memref<128x128xf32, #tpu.memory_space<vmem>>, %arg3: memref<1280x2xf32, #tpu.memory_space<vmem>>, %arg4: memref<1280x128xf32, #tpu.memory_space<vmem>>) attributes {dimension_semantics = [#tpu.dimension_semantics<arbitrary>], iteration_bounds = array<i64: 8>, scalar_prefetch = 0 : i64, scratch_operands = 0 : i64, tpu.core_type = #tpu.core_type<tc>, window_params = [{transform_indices = @transform_0, window_bounds = array<i64: 1280, 128>}, {pipeline_mode = #tpu.pipeline_mode<synchronous>, transform_indices = @transform_1, window_bounds = array<i64: 128, 128>}, {transform_indices = @transform_2, window_bounds = array<i64: 1280, 2>}, {transform_indices = @transform_3, window_bounds = array<i64: 1280, 128>}]} {
    %get3A = arith.constant 0 : index
    %get3A_0 = arith.constant 0 : index
    %get3A_1 = vector.load %arg3[%get3A, %get3A_0] : memref<1280x2xf32, #tpu.memory_space<vmem>>, vector<1280x2xf32>
    %slice3A = vector.extract_strided_slice %get3A_1 {offsets = [0, 0], sizes = [1280, 1], strides = [1, 1]} : vector<1280x2xf32> to vector<1280x1xf32>
    %slice3A_2 = vector.extract_strided_slice %get3A_1 {offsets = [0, 1], sizes = [1280, 1], strides = [1, 1]} : vector<1280x2xf32> to vector<1280x1xf32>
    %add3A = arith.addf %slice3A, %slice3A_2 : vector<1280x1xf32>
    %add3A_3 = arith.constant 1.000000e+00 : f32
    %add3A_4 = vector.broadcast %add3A_3 : f32 to vector<1280x1xf32>
    %add3A_5 = arith.addf %add3A, %add3A_4 : vector<1280x1xf32>
    %rsqrt3A = math.rsqrt %add3A_5 : vector<1280x1xf32>
    %get3A_6 = arith.constant 0 : index
    %get3A_7 = arith.constant 0 : index
    %get3A_8 = vector.load %arg1[%get3A_6, %get3A_7] : memref<1280x128xf32, #tpu.memory_space<vmem>>, vector<1280x128xf32>
    %get3A_9 = arith.constant 0 : index
    %get3A_10 = arith.constant 0 : index
    %get3A_11 = vector.load %arg2[%get3A_9, %get3A_10] : memref<128x128xf32, #tpu.memory_space<vmem>>, vector<128x128xf32>
    %dot_general3A = arith.constant dense<0.000000e+00> : vector<1280x128xf32>
    %dot_general3A_12 = tpu.matmul %get3A_8, %get3A_11, %dot_general3A {dimension_numbers = #tpu.dot_dimension_numbers<[1], [0], [0], [1], [0, 0, 1, 1], [], []>, transpose_lhs_hint = false} : vector<1280x128xf32>, vector<128x128xf32>, vector<1280x128xf32> -> vector<1280x128xf32>
    %mul3A = vector.broadcast %rsqrt3A : vector<1280x1xf32> to vector<1280x128xf32>
    %mul3A_13 = arith.mulf %dot_general3A_12, %mul3A : vector<1280x128xf32>
    %swap3A = arith.constant 0 : index
    %swap3A_14 = arith.constant 0 : index
    %swap3A_15 = vector.load %arg4[%swap3A, %swap3A_14] : memref<1280x128xf32, #tpu.memory_space<vmem>>, vector<1280x128xf32>
    tpu.vector_store %arg4[%swap3A, %swap3A_14], %mul3A_13 {strides = array<i32>} : memref<1280x128xf32, #tpu.memory_space<vmem>>, vector<1280x128xf32>,
    return
  }
  func.func @transform_0(%arg0: i32) -> (i32, i32) {
    %c0_i32 = arith.constant 0 : i32
    %c0_i32_0 = arith.constant 0 : i32
    return %arg0, %c0_i32 : i32, i32
  }
  func.func @transform_1(%arg0: i32) -> (i32, i32) {
    %c0_i32 = arith.constant 0 : i32
    %c0_i32_0 = arith.constant 0 : i32
    %c0_i32_1 = arith.constant 0 : i32
    return %c0_i32, %c0_i32_0 : i32, i32
  }
  func.func @transform_2(%arg0: i32) -> (i32, i32) {
    %c0_i32 = arith.constant 0 : i32
    %c0_i32_0 = arith.constant 0 : i32
    return %arg0, %c0_i32 : i32, i32
  }
  func.func @transform_3(%arg0: i32) -> (i32, i32) {
    %c0_i32 = arith.constant 0 : i32
    %c0_i32_0 = arith.constant 0 : i32
    return %arg0, %c0_i32 : i32, i32
  }
}

module attributes {stable_mosaic.version = 14 : i64} {
  func.func @_tc2_body(%arg0: i32, %arg1: memref<2x1280x128xf32, #tpu.memory_space<vmem>>, %arg2: memref<1280x128xf32, #tpu.memory_space<vmem>>, %arg3: memref<1280x2xf32, #tpu.memory_space<vmem>>, %arg4: memref<1x128xf32, #tpu.memory_space<vmem>>, %arg5: memref<128x128xf32, #tpu.memory_space<vmem>>, %arg6: memref<1280x128xf32, #tpu.memory_space<vmem>>) attributes {dimension_semantics = [#tpu.dimension_semantics<arbitrary>], iteration_bounds = array<i64: 8>, scalar_prefetch = 0 : i64, scratch_operands = 0 : i64, tpu.core_type = #tpu.core_type<tc>, window_params = [{transform_indices = @transform_0, window_bounds = array<i64: 2, 1280, 128>}, {transform_indices = @transform_1, window_bounds = array<i64: 1280, 128>}, {transform_indices = @transform_2, window_bounds = array<i64: 1280, 2>}, {pipeline_mode = #tpu.pipeline_mode<synchronous>, transform_indices = @transform_3, window_bounds = array<i64: 1, 128>}, {pipeline_mode = #tpu.pipeline_mode<synchronous>, transform_indices = @transform_4, window_bounds = array<i64: 128, 128>}, {transform_indices = @transform_5, window_bounds = array<i64: 1280, 128>}]} {
    %get3A = arith.constant 0 : index
    %get3A_0 = arith.constant 0 : index
    %get3A_1 = vector.load %arg3[%get3A, %get3A_0] : memref<1280x2xf32, #tpu.memory_space<vmem>>, vector<1280x2xf32>
    %slice3A = vector.extract_strided_slice %get3A_1 {offsets = [0, 0], sizes = [1280, 1], strides = [1, 1]} : vector<1280x2xf32> to vector<1280x1xf32>
    %slice3A_2 = vector.extract_strided_slice %get3A_1 {offsets = [0, 1], sizes = [1280, 1], strides = [1, 1]} : vector<1280x2xf32> to vector<1280x1xf32>
    %add3A = arith.addf %slice3A, %slice3A_2 : vector<1280x1xf32>
    %add3A_3 = arith.constant 1.000000e+00 : f32
    %add3A_4 = vector.broadcast %add3A_3 : f32 to vector<1280x1xf32>
    %add3A_5 = arith.addf %add3A, %add3A_4 : vector<1280x1xf32>
    %rsqrt3A = math.rsqrt %add3A_5 : vector<1280x1xf32>
    %get3A_6 = arith.constant 0 : index
    %get3A_7 = arith.constant 0 : index
    %get3A_8 = arith.constant 0 : index
    %get3A_9 = vector.load %arg1[%get3A_6, %get3A_7, %get3A_8] : memref<2x1280x128xf32, #tpu.memory_space<vmem>>, vector<2x1280x128xf32>
    %slice3A_10 = vector.extract_strided_slice %get3A_9 {offsets = [0, 0, 0], sizes = [1, 1280, 128], strides = [1, 1, 1]} : vector<2x1280x128xf32> to vector<1x1280x128xf32>
    %squeeze3A = vector.shape_cast %slice3A_10 : vector<1x1280x128xf32> to vector<1280x128xf32>
    %slice3A_11 = vector.extract_strided_slice %get3A_9 {offsets = [1, 0, 0], sizes = [1, 1280, 128], strides = [1, 1, 1]} : vector<2x1280x128xf32> to vector<1x1280x128xf32>
    %squeeze3A_12 = vector.shape_cast %slice3A_11 : vector<1x1280x128xf32> to vector<1280x128xf32>
    %add3A_13 = arith.addf %squeeze3A, %squeeze3A_12 : vector<1280x128xf32>
    %get3A_14 = arith.constant 0 : index
    %get3A_15 = arith.constant 0 : index
    %get3A_16 = vector.load %arg2[%get3A_14, %get3A_15] : memref<1280x128xf32, #tpu.memory_space<vmem>>, vector<1280x128xf32>
    %add3A_17 = arith.addf %add3A_13, %get3A_16 : vector<1280x128xf32>
    %mul3A = vector.broadcast %rsqrt3A : vector<1280x1xf32> to vector<1280x128xf32>
    %mul3A_18 = arith.mulf %mul3A, %add3A_17 : vector<1280x128xf32>
    %get3A_19 = arith.constant 0 : index
    %get3A_20 = arith.constant 0 : index
    %get3A_21 = vector.load %arg4[%get3A_19, %get3A_20] : memref<1x128xf32, #tpu.memory_space<vmem>>, vector<1x128xf32>
    %add3A_22 = vector.broadcast %get3A_21 : vector<1x128xf32> to vector<1280x128xf32>
    %add3A_23 = arith.addf %mul3A_18, %add3A_22 : vector<1280x128xf32>
    %max3A = arith.constant 0.000000e+00 : f32
    %max3A_24 = vector.broadcast %max3A : f32 to vector<1280x128xf32>
    %max3A_25 = arith.maximumf %add3A_23, %max3A_24 : vector<1280x128xf32>
    %get3A_26 = arith.constant 0 : index
    %get3A_27 = arith.constant 0 : index
    %get3A_28 = vector.load %arg5[%get3A_26, %get3A_27] : memref<128x128xf32, #tpu.memory_space<vmem>>, vector<128x128xf32>
    %dot_general3A = arith.constant dense<0.000000e+00> : vector<1280x128xf32>
    %dot_general3A_29 = tpu.matmul %max3A_25, %get3A_28, %dot_general3A {dimension_numbers = #tpu.dot_dimension_numbers<[1], [0], [0], [1], [0, 0, 1, 1], [], []>, transpose_lhs_hint = false} : vector<1280x128xf32>, vector<128x128xf32>, vector<1280x128xf32> -> vector<1280x128xf32>
    %mul3A_30 = vector.broadcast %rsqrt3A : vector<1280x1xf32> to vector<1280x128xf32>
    %mul3A_31 = arith.mulf %dot_general3A_29, %mul3A_30 : vector<1280x128xf32>
    %swap3A = arith.constant 0 : index
    %swap3A_32 = arith.constant 0 : index
    %swap3A_33 = vector.load %arg6[%swap3A, %swap3A_32] : memref<1280x128xf32, #tpu.memory_space<vmem>>, vector<1280x128xf32>
    tpu.vector_store %arg6[%swap3A, %swap3A_32], %mul3A_31 {strides = array<i32>} : memref<1280x128xf32, #tpu.memory_space<vmem>>, vector<1280x128xf32>,
    return
  }
  func.func @transform_0(%arg0: i32) -> (i32, i32, i32) {
    %c0_i32 = arith.constant 0 : i32
    %c0_i32_0 = arith.constant 0 : i32
    %c0_i32_1 = arith.constant 0 : i32
    return %c0_i32, %arg0, %c0_i32_0 : i32, i32, i32
  }
  func.func @transform_1(%arg0: i32) -> (i32, i32) {
    %c0_i32 = arith.constant 0 : i32
    %c0_i32_0 = arith.constant 0 : i32
    return %arg0, %c0_i32 : i32, i32
  }
  func.func @transform_2(%arg0: i32) -> (i32, i32) {
    %c0_i32 = arith.constant 0 : i32
    %c0_i32_0 = arith.constant 0 : i32
    return %arg0, %c0_i32 : i32, i32
  }
  func.func @transform_3(%arg0: i32) -> (i32, i32) {
    %c0_i32 = arith.constant 0 : i32
    %c0_i32_0 = arith.constant 0 : i32
    %c0_i32_1 = arith.constant 0 : i32
    return %c0_i32, %c0_i32_0 : i32, i32
  }
  func.func @transform_4(%arg0: i32) -> (i32, i32) {
    %c0_i32 = arith.constant 0 : i32
    %c0_i32_0 = arith.constant 0 : i32
    %c0_i32_1 = arith.constant 0 : i32
    return %c0_i32, %c0_i32_0 : i32, i32
  }
  func.func @transform_5(%arg0: i32) -> (i32, i32) {
    %c0_i32 = arith.constant 0 : i32
    %c0_i32_0 = arith.constant 0 : i32
    return %arg0, %c0_i32 : i32, i32
  }
}

module attributes {stable_mosaic.version = 14 : i64} {
  func.func @_tc3_body(%arg0: i32, %arg1: memref<2x1280x128xf32, #tpu.memory_space<vmem>>, %arg2: memref<1280x128xf32, #tpu.memory_space<vmem>>, %arg3: memref<1280x2xf32, #tpu.memory_space<vmem>>, %arg4: memref<1x128xf32, #tpu.memory_space<vmem>>, %arg5: memref<1280x128xf32, #tpu.memory_space<vmem>>) attributes {dimension_semantics = [#tpu.dimension_semantics<arbitrary>], iteration_bounds = array<i64: 8>, scalar_prefetch = 0 : i64, scratch_operands = 0 : i64, tpu.core_type = #tpu.core_type<tc>, window_params = [{transform_indices = @transform_0, window_bounds = array<i64: 2, 1280, 128>}, {transform_indices = @transform_1, window_bounds = array<i64: 1280, 128>}, {transform_indices = @transform_2, window_bounds = array<i64: 1280, 2>}, {pipeline_mode = #tpu.pipeline_mode<synchronous>, transform_indices = @transform_3, window_bounds = array<i64: 1, 128>}, {transform_indices = @transform_4, window_bounds = array<i64: 1280, 128>}]} {
    %get3A = arith.constant 0 : index
    %get3A_0 = arith.constant 0 : index
    %get3A_1 = vector.load %arg3[%get3A, %get3A_0] : memref<1280x2xf32, #tpu.memory_space<vmem>>, vector<1280x2xf32>
    %slice3A = vector.extract_strided_slice %get3A_1 {offsets = [0, 0], sizes = [1280, 1], strides = [1, 1]} : vector<1280x2xf32> to vector<1280x1xf32>
    %slice3A_2 = vector.extract_strided_slice %get3A_1 {offsets = [0, 1], sizes = [1280, 1], strides = [1, 1]} : vector<1280x2xf32> to vector<1280x1xf32>
    %add3A = arith.addf %slice3A, %slice3A_2 : vector<1280x1xf32>
    %add3A_3 = arith.constant 1.000000e+00 : f32
    %add3A_4 = vector.broadcast %add3A_3 : f32 to vector<1280x1xf32>
    %add3A_5 = arith.addf %add3A, %add3A_4 : vector<1280x1xf32>
    %rsqrt3A = math.rsqrt %add3A_5 : vector<1280x1xf32>
    %get3A_6 = arith.constant 0 : index
    %get3A_7 = arith.constant 0 : index
    %get3A_8 = arith.constant 0 : index
    %get3A_9 = vector.load %arg1[%get3A_6, %get3A_7, %get3A_8] : memref<2x1280x128xf32, #tpu.memory_space<vmem>>, vector<2x1280x128xf32>
    %slice3A_10 = vector.extract_strided_slice %get3A_9 {offsets = [0, 0, 0], sizes = [1, 1280, 128], strides = [1, 1, 1]} : vector<2x1280x128xf32> to vector<1x1280x128xf32>
    %squeeze3A = vector.shape_cast %slice3A_10 : vector<1x1280x128xf32> to vector<1280x128xf32>
    %slice3A_11 = vector.extract_strided_slice %get3A_9 {offsets = [1, 0, 0], sizes = [1, 1280, 128], strides = [1, 1, 1]} : vector<2x1280x128xf32> to vector<1x1280x128xf32>
    %squeeze3A_12 = vector.shape_cast %slice3A_11 : vector<1x1280x128xf32> to vector<1280x128xf32>
    %add3A_13 = arith.addf %squeeze3A, %squeeze3A_12 : vector<1280x128xf32>
    %get3A_14 = arith.constant 0 : index
    %get3A_15 = arith.constant 0 : index
    %get3A_16 = vector.load %arg2[%get3A_14, %get3A_15] : memref<1280x128xf32, #tpu.memory_space<vmem>>, vector<1280x128xf32>
    %add3A_17 = arith.addf %add3A_13, %get3A_16 : vector<1280x128xf32>
    %mul3A = vector.broadcast %rsqrt3A : vector<1280x1xf32> to vector<1280x128xf32>
    %mul3A_18 = arith.mulf %mul3A, %add3A_17 : vector<1280x128xf32>
    %get3A_19 = arith.constant 0 : index
    %get3A_20 = arith.constant 0 : index
    %get3A_21 = vector.load %arg4[%get3A_19, %get3A_20] : memref<1x128xf32, #tpu.memory_space<vmem>>, vector<1x128xf32>
    %add3A_22 = vector.broadcast %get3A_21 : vector<1x128xf32> to vector<1280x128xf32>
    %add3A_23 = arith.addf %mul3A_18, %add3A_22 : vector<1280x128xf32>
    %swap3A = arith.constant 0 : index
    %swap3A_24 = arith.constant 0 : index
    %swap3A_25 = vector.load %arg5[%swap3A, %swap3A_24] : memref<1280x128xf32, #tpu.memory_space<vmem>>, vector<1280x128xf32>
    tpu.vector_store %arg5[%swap3A, %swap3A_24], %add3A_23 {strides = array<i32>} : memref<1280x128xf32, #tpu.memory_space<vmem>>, vector<1280x128xf32>,
    return
  }
  func.func @transform_0(%arg0: i32) -> (i32, i32, i32) {
    %c0_i32 = arith.constant 0 : i32
    %c0_i32_0 = arith.constant 0 : i32
    %c0_i32_1 = arith.constant 0 : i32
    return %c0_i32, %arg0, %c0_i32_0 : i32, i32, i32
  }
  func.func @transform_1(%arg0: i32) -> (i32, i32) {
    %c0_i32 = arith.constant 0 : i32
    %c0_i32_0 = arith.constant 0 : i32
    return %arg0, %c0_i32 : i32, i32
  }
  func.func @transform_2(%arg0: i32) -> (i32, i32) {
    %c0_i32 = arith.constant 0 : i32
    %c0_i32_0 = arith.constant 0 : i32
    return %arg0, %c0_i32 : i32, i32
  }
  func.func @transform_3(%arg0: i32) -> (i32, i32) {
    %c0_i32 = arith.constant 0 : i32
    %c0_i32_0 = arith.constant 0 : i32
    %c0_i32_1 = arith.constant 0 : i32
    return %c0_i32, %c0_i32_0 : i32, i32
  }
  func.func @transform_4(%arg0: i32) -> (i32, i32) {
    %c0_i32 = arith.constant 0 : i32
    %c0_i32_0 = arith.constant 0 : i32
    return %arg0, %c0_i32 : i32, i32
  }
}

</mosaic_0001>

<sc_bundles>
// kernel: kernel.11.cloned.1.call-start
scs
__scs_entry_jumppad:
0x0: {  	(pc) =	sbr.rel $0x88, $3  }
0x1: {  	(tag) =	ssettag $0x0;
	lr =	simm.s32 $0x1  }
0x2: {  	[smem:$0x3F9B] =	sst lr;
	_ =	strace $0xD0000000  }
0x3: {  	_ = 	snop  }
0x4: {  	_ = 	snop  }
0x5: {  	_ = 	snop  }
0x6: {  	_ = 	snop  }
0x7: {  	_ = 	snop  }
__scs_overlays_trampoline_lowered:
0x8: {  	[smem:$0x3FAA] =	sst s0  }
0x9: {  	[smem:$0x3FAB] =	sst s1  }
0xa: {  	[smem:$0x3FAC] =	sst s2  }
0xb: {  	[smem:$0x3FAD] =	sst s3  }
0xc: {  	[smem:$0x3FAE] =	sst s4  }
0xd: {  	[smem:$0x3FAF] =	sst s5  }
0xe: {  	[smem:$0x3FB0] =	sst s6  }
0xf: {  	[smem:$0x3FB1] =	sst s7  }
0x10: {  	[smem:$0x3FB2] =	sst s8  }
0x11: {  	[smem:$0x3FB3] =	sst s9;
	s0 =	simm.s32 @!p0 $0x0  }
0x12: {  	s1 =	sld [smem:$0x3F99];
	s0 =	simm.s32 @p0 $0x1  }
0x13: {  	[smem:$0x3FB4] =	sst s0;
	s0 =	simm.s32 @!p1 $0x0  }
0x14: {  	s2 =	sld [smem:$0x3F98];
	s0 =	simm.s32 @p1 $0x1  }
0x15: {  	[smem:$0x3FB5] =	sst s0;
	s0 =	simm.s32 @!p2 $0x0  }
0x16: {  	s3 =	sld [smem:$0x3FDB];
	s0 =	simm.s32 @p2 $0x1  }
0x17: {  	s4 =	simm.s32 $0x1BF5;
	[smem:$0x3FB7] =	sst s0  }
0x18: {  	s0 =	sld [smem:$0x3F9A];
	_ =	swait.ge [sflag:s4], $0x0  }
0x19: {  	s7 =	sld [smem:$0x3F9B]  }
0x1a: {  	s8 =	sadd.s32 $0xFFFFE003, lr  }
0x1b: {  	s9 =	sadd.s32 $0xFFFFFEF7, lr;
	s5 =	simm.s32 $0xFFFFFFFF;
	p2 =	slt.u32 s8, $0xFFFFF086  }
0x1c: {  	p1 =	slt.u32 s9, $0xF7A;
	s5 =	simm.s32 @!p2 $0x0  }
0x1d: {  	s5 =	simm.s32 @p1 $0x1;
	p0 =	seq.s32 s7, s2  }
0x1e: {  	s7 =	smul.u32 @!p0 $0xF7A, s2;
	p2 =	seq.s32 @!p0 s5, $0x0  }
0x1f: {  	s9 =	smul.u32 $0xF7A, s1;
	s8 =	simm.s32 @!p0 $0x1BF5;
	p2 =	por !p2, p0  }
0x20: {  	[sflag:s8] =	ssyncset.s32 @!p0 $0xFFFFF086;
	s6 =	sadd.s32 @!p0 s3, s7;
	s7 =	simm.s32 @!p0 $0x108  }
0x21: {  	s3 =	sadd.s32 s3, s9;
	s6 =	sadd.s32 @!p0 $0x88, s6;
	s7 =	simm.s32 @p2 $0x1082  }
0x22: {  	[simem:s7], [sflag:s8] =	dma.local @!p0 [hbm:s6], $0xF7A  }
0x23: {  	s9 =	sor.u32 $0xD0000000, s2;
	s6 =	simm.s32 $0x108;
	_ =	swait.ge @!p0 [sflag:s8], $0x0  }
0x24: {  	s3 =	sadd.s32 $0x88, s3;
	s6 =	simm.s32 @!p1 $0x1082;
	[sflag:s4] =	ssyncset.s32 $0xFFFFF086  }
0x25: {  	[simem:s6], [sflag:s4] =	dma.local [hbm:s3], $0xF7A  }
0x26: {  	[smem:$0x3F9B] =	sst s1;
	(tag) =	ssettag s2;
	_ =	strace s9  }
0x27: {  	s1 =	sld [smem:$0x3FAB]  }
0x28: {  	s2 =	sld [smem:$0x3FAC]  }
0x29: {  	s4 =	sld [smem:$0x3FAE]  }
0x2a: {  	p0 =	seq.s32 s5, $0x0;
	s5 =	sld [smem:$0x3FAF]  }
0x2b: {  	s6 =	sld [smem:$0x3FB0]  }
0x2c: {  	s7 =	sld [smem:$0x3FB1]  }
0x2d: {  	s3 =	simm.s32 $0x108;
	s8 =	sld [smem:$0x3FB2]  }
0x2e: {  	s3 =	simm.s32 @!p0 $0x1082;
	s9 =	sld [smem:$0x3FB3]  }
0x2f: {  	lr =	sadd.s32 s0, s3;
	s0 =	sld [smem:$0x3FAA]  }
0x30: {  	s3 =	sld [smem:$0x3FAD]  }
0x31: {  	[smem:$0x3FB6] =	sst s10  }
0x32: {  	s10 =	sld [smem:$0x3FB4];
	_ =	sdelay $0x3  }
0x33: {  	p0 =	seq.s32 s10, $0x1;
	s10 =	sld [smem:$0x3FB6];
	_ =	sdelay $0x3  }
0x34: {  	[smem:$0x3FB6] =	sst s10  }
0x35: {  	s10 =	sld [smem:$0x3FB5];
	_ =	sdelay $0x3  }
0x36: {  	p1 =	seq.s32 s10, $0x1;
	s10 =	sld [smem:$0x3FB6];
	_ =	sdelay $0x3  }
0x37: {  	[smem:$0x3FB6] =	sst s10  }
0x38: {  	s10 =	sld [smem:$0x3FB7]  }
0x39: {  	_ = 	snop;
	(pc) =	sbr.ind lr, $3  }
0x3a: {  	_ = 	snop  }
0x3b: {  	_ = 	snop  }
0x3c: {  	p2 =	seq.s32 s10, $0x1;
	s10 =	sld [smem:$0x3FB6]  }
0x3d: {  	_ =	shalt  }
0x3e: {  	_ =	shalt  }
0x3f: {  	_ =	shalt  }
0x40: {  	_ =	shalt  }
0x41: {  	_ =	shalt  }
0x42: {  	_ =	shalt  }
0x43: {  	_ =	shalt  }
0x44: {  	_ =	shalt  }
0x45: {  	_ =	shalt  }
0x46: {  	_ =	shalt  }
0x47: {  	_ =	shalt  }
0x48: {  	_ =	shalt  }
0x49: {  	_ =	shalt  }
0x4a: {  	_ =	shalt  }
0x4b: {  	_ =	shalt  }
0x4c: {  	_ =	shalt  }
0x4d: {  	_ =	shalt  }
0x4e: {  	_ =	shalt  }
0x4f: {  	_ =	shalt  }
0x50: {  	_ =	shalt  }
0x51: {  	_ =	shalt  }
0x52: {  	_ =	shalt  }
0x53: {  	_ =	shalt  }
0x54: {  	_ =	shalt  }
0x55: {  	_ =	shalt  }
0x56: {  	_ =	shalt  }
0x57: {  	_ =	shalt  }
0x58: {  	_ =	shalt  }
0x59: {  	_ =	shalt  }
0x5a: {  	_ =	shalt  }
0x5b: {  	_ =	shalt  }
0x5c: {  	_ =	shalt  }
0x5d: {  	_ =	shalt  }
0x5e: {  	_ =	shalt  }
0x5f: {  	_ =	shalt  }
0x60: {  	_ =	shalt  }
0x61: {  	_ =	shalt  }
0x62: {  	_ =	shalt  }
0x63: {  	_ =	shalt  }
0x64: {  	_ =	shalt  }
0x65: {  	_ =	shalt  }
0x66: {  	_ =	shalt  }
0x67: {  	_ =	shalt  }
0x68: {  	_ =	shalt  }
0x69: {  	_ =	shalt  }
0x6a: {  	_ =	shalt  }
0x6b: {  	_ =	shalt  }
0x6c: {  	_ =	shalt  }
0x6d: {  	_ =	shalt  }
0x6e: {  	_ =	shalt  }
0x6f: {  	_ =	shalt  }
0x70: {  	_ =	shalt  }
0x71: {  	_ =	shalt  }
0x72: {  	_ =	shalt  }
0x73: {  	_ =	shalt  }
0x74: {  	_ =	shalt  }
0x75: {  	_ =	shalt  }
0x76: {  	_ =	shalt  }
0x77: {  	_ =	shalt  }
0x78: {  	_ =	shalt  }
0x79: {  	_ =	shalt  }
0x7a: {  	_ =	shalt  }
0x7b: {  	_ =	shalt  }
0x7c: {  	_ =	shalt  }
0x7d: {  	_ =	shalt  }
0x7e: {  	_ =	shalt  }
0x7f: {  	_ =	shalt  }
0x80: {  	_ =	shalt  }
0x81: {  	_ =	shalt  }
0x82: {  	_ =	shalt  }
0x83: {  	_ =	shalt  }
0x84: {  	_ =	shalt  }
0x85: {  	_ =	shalt  }
0x86: {  	_ =	shalt  }
0x87: {  	_ =	shalt  }
.Lfunc_end0:
.L_simem_size_0:
called_computation.1_lowered:
.L_overlay_start_0:
0x88: {  	s2 =	sld [smem:$0x3FD9]  }
0x89: {  	s3 =	sld [smem:$0x3FFE];
	_ =	sdelay $0x1  }
0x8a: {  	s1 =	srdreg.scid  }
0x8b: {  	s0 =	sand.u32 $0x1, s1  }
0x8c: {  	s17 =	sshll.u32 s0, $0xA;
	s2 =	sadd.s32 s3, s2  }
0x8d: {  	s2 =	sadd.s32 s2, s17  }
0x8e: {  	[smem:$0x3FC2] =	sst s2  }
0x8f: {  	_ = 	snop  }
0x90: {  	s2 =	sld [smem:$0x3FD0];
	(tm) =	ssettm $0x1  }
0x91: {  	s18 =	sld [smem:$0x3FFB];
	_ =	sdelay $0x3  }
0x92: {  	_ =	strace s18  }
0x93: {  	s3 =	sld [smem:$0x3FFC];
	_ =	sdelay $0x3  }
0x94: {  	_ =	strace s3  }
0x95: {  	s3 =	sld [smem:$0x3FFD];
	_ =	sdelay $0x3  }
0x96: {  	_ =	strace s3  }
0x97: {  	_ =	strace $0x8FFFFFFF  }
0x98: {  	s19 =	sld [smem:$0x3FDB];
	_ =	sdelay $0x1  }
0x99: {  	s4 =	simm.s32 $_scs_section_size  }
0x9a: {  	s5 =	simm.s32 $_size__tile_overlayer_lowered;
	s6 =	simm.s32 $_tile_overlayer_lowered  }
0x9b: {  	s22 =	simm.s32 $0x1BFF;
	s21 =	sshll.u32 s6, $0x1;
	s3 =	sadd.s32 s4, s19  }
0x9c: {  	s7 =	simm.s32 $0x0;
	s20 =	sshll.u32 s5, $0x1;
	s5 =	sadd.s32 s21, s3  }
0x9d: {  	[timem:s7], [sflag:s22] =	dma.local [hbm:s5], s20  }
0x9e: {  	_ =	swait.ge [sflag:s22], s20  }
0x9f: {  	s4 =	ssub.s32 $0x0, s20;
	[sflag:s22] =	ssyncset.done $0x0  }
0xa0: {  	[sflag:s22] =	ssyncadd.s32 s4;
	_ =	sdelay $0x1  }
0xa1: {  	s23 =	simm.s32 $0x1B8B  }
0xa2: {  	_ =	swait.ge [sflag:s23], $0x1  }
0xa3: {  	[sflag:s23] =	ssyncset.done $0x0  }
0xa4: {  	s25 =	simm.s32 $0x1B8E;
	s24 =	sld [smem:$0x3FFE];
	[sflag:s23] =	ssyncadd.s32 $0xFFFFFFFF  }
0xa5: {  	s26 =	simm.s32 $execute0_lowered;
	[smem:$0x3FD2] =	sst s25  }
0xa6: {  	s5 =	sshll.u32 s26, $0x1;
	_ =	strace $0x80000049;
	[dreg:$0x1] =	wrdreg $0xFFFFFFFF  }
0xa7: {  	s28 =	simm.s32 $_size_execute0_lowered;
	s3 =	sadd.s32 s3, s5;
	[dreg:$0x0] =	wrdreg $0x0  }
0xa8: {  	s5 =	sshll.u32 s28, $0x1;
	[dreg:$0x2] =	wrdreg s3  }
0xa9: {  	[dreg:$0x3] =	wrdreg s5  }
0xaa: {  	[dreg:$0x4] =	wrdreg $0xC0  }
0xab: {  	_ =	task [dreg:s7], $0x5FFFF  }
0xac: {  	[dreg:$0x1] =	wrdreg $0xFFFFFFFF  }
0xad: {  	[dreg:$0x0] =	wrdreg $0x60  }
0xae: {  	[dreg:$0x2] =	wrdreg s2  }
0xaf: {  	[dreg:$0x3] =	wrdreg s24  }
0xb0: {  	[dreg:$0x4] =	wrdreg $0xA8000  }
0xb1: {  	[dreg:$0x5] =	wrdreg $0x9  }
0xb2: {  	_ =	task.clear_ibuf [dreg:s7], $0x6FFFF;
	_ =	strace $0x90000049  }
0xb3: {  	s29 =	simm.s32 $0x9;
	_ =	strace $0x8000004B  }
0xb4: {  	_ =	swait.ge [sflag:s29], $0x1  }
0xb5: {  	[sflag:s29] =	ssyncadd.s32 $0xFFFFFFFF  }
0xb6: {  	_ =	strace $0x9000004B  }
0xb7: {  	_ =	sfence  }
0xb8: {  	s30 =	sld [smem:$0x0];
	_ =	sdelay $0x2  }
0xb9: {  	s31 =	sshll.u32 s1, $0xD;
	s1 =	sshrl.u32 s1, $0x2  }
0xba: {  	s3 =	sand.u32 $0x4000, s31;
	s1 =	sadd.s32 s1, s30  }
0xbb: {  	s0 =	sor.u32 s3, s0;
	s1 =	sshll.u32 s1, $0x11  }
0xbc: {  	s0 =	sor.u32 s1, s0  }
0xbd: {  	s0 =	sadd.s32 $0x8F2B, s0  }
0xbe: {  	[sflag:s0] =	ssyncadd.remote.s32 $0x1  }
0xbf: {  	_ =	sfence.sel $0xFFFF  }
0xc0: {  	[dreg:$0x0] =	wrdreg $0xFFFFFFFF;
	(pc) =	sbr.abs _section_cstart, $3  }
0xc1: {  	[dreg:$0x1] =	wrdreg $0xFFFFFFFF  }
0xc2: {  	_ =	task.clear_ibuf [dreg:s7], $0x2FFFF;
	_ =	strace $0x9FFFFFFF  }
0xc3: {  	(tm) =	ssettm $0x7FFFFFFF  }
tec
execute0_lowered:
.L_overlay_start_1:
0x0: {  	(tag) =	ssettag $0x1  }
0x1: {  	s1 =	rddreg [dreg:$0x0]  }
0x2: {  	s6 =	rddreg [dreg:$0x1]  }
0x3: {  	s2 =	rddreg [dreg:$0x2]  }
0x4: {  	s0 =	rddreg [dreg:$0x3];
	s4 =	simm.s32 $0x0;
	s3 =	srdreg.scid  }
0x5: {  	s13 =	simm.s32 $0x4000;
	s14 =	simm.s32 $0x50;
	s15 =	simm.s32 $0x8000  }
0x6: {  	s16 =	simm.s32 $0x1;
	[smem:$0x7FF] =	sst s4;
	s7 =	sand.u32 $0x1, s3  }
0x7: {  	s17 =	simm.s32 $0x0;
	s3 =	stileid.u32;
	s5 =	smul.u32 $0x140000, s7  }
0x8: {  	s8 =	sshll.u32 s7, $0xF;
	s9 =	sshll.u32 s3, $0xB;
	s10 =	smul.u32 $0x14000, s3  }
0x9: {  	_ =	strace $0x8000004A;
	s29 =	smul.u32 $0x50000, s3;
	s7 =	ssub.s32 $0x2, s7  }
0xa: {  	s31 =	sshll.u32 s3, $0x6;
	s8 =	sor.u32 s9, s8;
	s30 =	sshrl.u32 s7, $0x1  }
0xb: {  	s8 =	sadd.s32 s8, s6;
	s28 =	sadd.s32 s10, s5;
	s5 =	sadd.s32 $0x22600, s6  }
0xc: {  	s10 =	sshrl.u32 s29, $0x2;
	s11 =	ssub.s32 s7, s30;
	s9 =	sshrl.u32 s28, $0x3  }
0xd: {  	s12 =	sadd.s32 s10, s2;
	s7 =	sadd.s32 $0x12600, s8;
	s8 =	sadd.s32 $0x2400, s8  }
0xe: {  	s10 =	smax.u32 s11, $0x1;
	s9 =	sadd.s32 s9, s6;
	s6 =	sor.u32 $0x1C02, s31  }
0xf: {  	s11 =	sshrl.u32 s12, $0x3;
	s12 =	simm.s32 $0x2;
	s9 =	sadd.s32 $0x24E00, s9  }
.LBB2_1:
0x10: {  	[spmem:s11], [sflag:s6] =	dma.local [hbm:s5], $0x2800  }
0x11: {  	_ =	swait.ge [sflag:s12], $0x2800  }
0x12: {  	[sflag:s12] =	ssyncset.done $0x0  }
0x13: {  	[sflag:s12] =	ssyncadd.s32 $0xFFFFD800  }
0x14: {  	[tilespmem:s4], [sflag:$0x2] =	stream.linear.gather [hbm4b:s7+s4], $0x3E80, $0x38;
	[tilespmem:$0x1E800] =	vst v63  }
0x15: {  	_ =	swait.ge [sflag:s12], $0x3E80  }
0x16: {  	[sflag:s12] =	ssyncset.done $0x0  }
0x17: {  	[sflag:s12] =	ssyncadd.s32 $0xFFFFC180  }
0x18: {  	[tilespmem:s13], [sflag:$0x2] =	stream.linear.gather [hbm4b:s8+s4], $0x3E80, $0x38;
	[tilespmem:$0x1E800] =	vst v63  }
0x19: {  	_ =	swait.ge [sflag:s12], $0x3E80  }
0x1a: {  	[sflag:s12] =	ssyncset.done $0x0  }
0x1b: {  	[sflag:s12] =	ssyncadd.s32 $0xFFFFC180  }
0x1c: {  	s18 =	simm.s32 $0x0;
	[bflag:$0x0] =	sbarrier.arrive $0xFFFF  }
0x1d: {  	[tilespmem:s15], [sflag:$0x1] =	stream.indirect.gather [hbm4b:s1+s14], $0x80, s18, s14, $0xb8;
	[tilespmem:$0x1E800] =	vst v63  }
0x1e: {  	_ =	swait.ge [sflag:s16], $0x2800  }
0x1f: {  	[sflag:s16] =	ssyncset.done $0x0  }
0x20: {  	s31 =	simm.s32 $0x4000;
	[sflag:s16] =	ssyncadd.s32 $0xFFFFD800  }
0x21: {  	[spmem:s2] =	stream.indirect.scatter.add.f32 [tilespmem:s15], [sflag:$0x2], $0x80, s31, s14, $0xb8;
	[tilespmem:$0x1E800] =	vst v63  }
0x22: {  	_ =	swait.ge [sflag:s12], $0x2800  }
0x23: {  	s19 =	simm.s32 $0x400;
	s18 =	simm.s32 $0x200;
	[sflag:s12] =	ssyncset.done $0x0  }
.LBB2_2:
0x24: {  	s20 =	sshra.s32 s18, $0x2  }
0x25: {  	[sflag:s12] =	ssyncadd.s32 $0xFFFFD800;
	s18 =	smov.u32 s19;
	s21 =	sadd.s32 $0x200, s19  }
0x26: {  	[tilespmem:s15], [sflag:$0x1] =	stream.indirect.gather [hbm4b:s1+s14], $0x80, s20, s14, $0xb8;
	[tilespmem:$0x1E800] =	vst v63  }
0x27: {  	p0 =	sne.s32 s19, $0xF800;
	_ =	swait.ge [sflag:s16], $0x2800  }
.Ltmp0:
0x28: {  	[sflag:s16] =	ssyncset.done $0x0;
	(pc) =	sbr.rel @p0 .LBB2_2-.Ltmp0, $4  }
0x29: {  	s19 =	sadd.s32 $0x4000, s20;
	[sflag:s16] =	ssyncadd.s32 $0xFFFFD800  }
0x2a: {  	[spmem:s2] =	stream.indirect.scatter.add.f32 [tilespmem:s15], [sflag:$0x2], $0x80, s19, s14, $0xb8;
	[tilespmem:$0x1E800] =	vst v63  }
0x2b: {  	_ =	swait.ge [sflag:s12], $0x2800  }
0x2c: {  	s19 =	smov.u32 s21;
	[sflag:s12] =	ssyncset.done $0x0  }
0x2d: {  	s18 =	sshra.s32 s18, $0x2;
	[sflag:s12] =	ssyncadd.s32 $0xFFFFD800  }
0x2e: {  	[tilespmem:s15], [sflag:$0x1] =	stream.indirect.gather [hbm4b:s1+s14], $0x80, s18, s14, $0xb8;
	[tilespmem:$0x1E800] =	vst v63  }
0x2f: {  	_ =	swait.ge [sflag:s16], $0x2800  }
0x30: {  	[sflag:s16] =	ssyncset.done $0x0  }
0x31: {  	s18 =	sadd.s32 $0x4000, s18;
	[sflag:s16] =	ssyncadd.s32 $0xFFFFD800  }
0x32: {  	[spmem:s2] =	stream.indirect.scatter.add.f32 [tilespmem:s15], [sflag:$0x2], $0x80, s18, s14, $0xb8;
	[tilespmem:$0x1E800] =	vst v63  }
0x33: {  	_ =	swait.ge [sflag:s12], $0x2800  }
0x34: {  	s17 =	sadd.s32 $0x1, s17;
	[sflag:s12] =	ssyncset.done $0x0  }
0x35: {  	p0 =	sne.s32 s17, s10;
	[sflag:s12] =	ssyncadd.s32 $0xFFFFD800  }
.Ltmp1:
0x36: {  	[bflag:$0x0] =	sbarrier.arrive $0xFFFF;
	(pc) =	sbr.rel @p0 .LBB2_1-.Ltmp1, $4  }
0x37: {  	[hbm:s9], [sflag:s6] =	dma.local [spmem:s11], $0x2800  }
0x38: {  	_ =	swait.ge [sflag:s12], $0x2800  }
0x39: {  	[sflag:s12] =	ssyncset.done $0x0  }
0x3a: {  	[sflag:s12] =	ssyncadd.s32 $0xFFFFD800  }
0x3b: {  	_ =	sfence.sel $0x180000  }
0x3c: {  	[bflag:$0x0] =	sbarrier.arrive $0xFFFF  }
0x3d: {  	p0 =	sne.s32 s3, $0x0;
	_ =	strace $0x9000004A  }
0x3e: {  	s0 =	sadd.s32 @!p0 $0x100000, s0;
	[bflag:$0x2] =	sbarrier.arrive $0xFFFF  }
0x3f: {  	[sflag:s0] =	ssyncadd.tile.s32 @!p0 $0x1;
	_ =	shalt  }
.Lfunc_end2:
_tile_overlayer_lowered:
.L_overlay_start_2:
0x40: {  	(tag) =	ssettag $0x2  }
0x41: {  	s0 =	rddreg [dreg:$0x0];
	s2 =	stileid.u32  }
0x42: {  	s1 =	rddreg [dreg:$0x1];
	p0 =	sne.s32 s2, $0x0  }
0x43: {  	s3 =	rddreg [dreg:$0x2];
	[bflag:$0x3] =	sbarrier.arrive $0xFFFF;
	s2 =	simm.s32 @!p0 $0x1C02  }
0x44: {  	[timem:s3], [sflag:s2] =	dma.local @!p0 [hbm:s0], s1  }
0x45: {  	s0 =	simm.s32 @!p0 $0x2  }
0x46: {  	_ =	swait.ge @!p0 [sflag:s0], s1  }
0x47: {  	s1 =	ssub.s32 @!p0 $0x0, s1;
	[sflag:s0] =	ssyncset.done @!p0 $0x0  }
0x48: {  	[sflag:s0] =	ssyncadd.s32 @!p0 s1  }
0x49: {  	[bflag:$0x3] =	sbarrier.arrive $0xFFFF  }
0x4a: {  	_ =	shalt  }

// kernel: kernel.14.cloned.1.call-start
scs
__scs_entry_jumppad:
0x0: {  	(pc) =	sbr.rel $0x88, $3  }
0x1: {  	(tag) =	ssettag $0x0;
	lr =	simm.s32 $0x1  }
0x2: {  	[smem:$0x3F9B] =	sst lr;
	_ =	strace $0xD0000000  }
0x3: {  	_ = 	snop  }
0x4: {  	_ = 	snop  }
0x5: {  	_ = 	snop  }
0x6: {  	_ = 	snop  }
0x7: {  	_ = 	snop  }
__scs_overlays_trampoline_lowered:
0x8: {  	[smem:$0x3FAA] =	sst s0  }
0x9: {  	[smem:$0x3FAB] =	sst s1  }
0xa: {  	[smem:$0x3FAC] =	sst s2  }
0xb: {  	[smem:$0x3FAD] =	sst s3  }
0xc: {  	[smem:$0x3FAE] =	sst s4  }
0xd: {  	[smem:$0x3FAF] =	sst s5  }
0xe: {  	[smem:$0x3FB0] =	sst s6  }
0xf: {  	[smem:$0x3FB1] =	sst s7  }
0x10: {  	[smem:$0x3FB2] =	sst s8  }
0x11: {  	[smem:$0x3FB3] =	sst s9;
	s0 =	simm.s32 @!p0 $0x0  }
0x12: {  	s1 =	sld [smem:$0x3F99];
	s0 =	simm.s32 @p0 $0x1  }
0x13: {  	[smem:$0x3FB4] =	sst s0;
	s0 =	simm.s32 @!p1 $0x0  }
0x14: {  	s2 =	sld [smem:$0x3F98];
	s0 =	simm.s32 @p1 $0x1  }
0x15: {  	[smem:$0x3FB5] =	sst s0;
	s0 =	simm.s32 @!p2 $0x0  }
0x16: {  	s3 =	sld [smem:$0x3FDB];
	s0 =	simm.s32 @p2 $0x1  }
0x17: {  	s4 =	simm.s32 $0x1BF5;
	[smem:$0x3FB7] =	sst s0  }
0x18: {  	s0 =	sld [smem:$0x3F9A];
	_ =	swait.ge [sflag:s4], $0x0  }
0x19: {  	s7 =	sld [smem:$0x3F9B]  }
0x1a: {  	s8 =	sadd.s32 $0xFFFFE003, lr  }
0x1b: {  	s9 =	sadd.s32 $0xFFFFFEF7, lr;
	s5 =	simm.s32 $0xFFFFFFFF;
	p2 =	slt.u32 s8, $0xFFFFF086  }
0x1c: {  	p1 =	slt.u32 s9, $0xF7A;
	s5 =	simm.s32 @!p2 $0x0  }
0x1d: {  	s5 =	simm.s32 @p1 $0x1;
	p0 =	seq.s32 s7, s2  }
0x1e: {  	s7 =	smul.u32 @!p0 $0xF7A, s2;
	p2 =	seq.s32 @!p0 s5, $0x0  }
0x1f: {  	s9 =	smul.u32 $0xF7A, s1;
	s8 =	simm.s32 @!p0 $0x1BF5;
	p2 =	por !p2, p0  }
0x20: {  	[sflag:s8] =	ssyncset.s32 @!p0 $0xFFFFF086;
	s6 =	sadd.s32 @!p0 s3, s7;
	s7 =	simm.s32 @!p0 $0x108  }
0x21: {  	s3 =	sadd.s32 s3, s9;
	s6 =	sadd.s32 @!p0 $0x88, s6;
	s7 =	simm.s32 @p2 $0x1082  }
0x22: {  	[simem:s7], [sflag:s8] =	dma.local @!p0 [hbm:s6], $0xF7A  }
0x23: {  	s9 =	sor.u32 $0xD0000000, s2;
	s6 =	simm.s32 $0x108;
	_ =	swait.ge @!p0 [sflag:s8], $0x0  }
0x24: {  	s3 =	sadd.s32 $0x88, s3;
	s6 =	simm.s32 @!p1 $0x1082;
	[sflag:s4] =	ssyncset.s32 $0xFFFFF086  }
0x25: {  	[simem:s6], [sflag:s4] =	dma.local [hbm:s3], $0xF7A  }
0x26: {  	[smem:$0x3F9B] =	sst s1;
	(tag) =	ssettag s2;
	_ =	strace s9  }
0x27: {  	s1 =	sld [smem:$0x3FAB]  }
0x28: {  	s2 =	sld [smem:$0x3FAC]  }
0x29: {  	s4 =	sld [smem:$0x3FAE]  }
0x2a: {  	p0 =	seq.s32 s5, $0x0;
	s5 =	sld [smem:$0x3FAF]  }
0x2b: {  	s6 =	sld [smem:$0x3FB0]  }
0x2c: {  	s7 =	sld [smem:$0x3FB1]  }
0x2d: {  	s3 =	simm.s32 $0x108;
	s8 =	sld [smem:$0x3FB2]  }
0x2e: {  	s3 =	simm.s32 @!p0 $0x1082;
	s9 =	sld [smem:$0x3FB3]  }
0x2f: {  	lr =	sadd.s32 s0, s3;
	s0 =	sld [smem:$0x3FAA]  }
0x30: {  	s3 =	sld [smem:$0x3FAD]  }
0x31: {  	[smem:$0x3FB6] =	sst s10  }
0x32: {  	s10 =	sld [smem:$0x3FB4];
	_ =	sdelay $0x3  }
0x33: {  	p0 =	seq.s32 s10, $0x1;
	s10 =	sld [smem:$0x3FB6];
	_ =	sdelay $0x3  }
0x34: {  	[smem:$0x3FB6] =	sst s10  }
0x35: {  	s10 =	sld [smem:$0x3FB5];
	_ =	sdelay $0x3  }
0x36: {  	p1 =	seq.s32 s10, $0x1;
	s10 =	sld [smem:$0x3FB6];
	_ =	sdelay $0x3  }
0x37: {  	[smem:$0x3FB6] =	sst s10  }
0x38: {  	s10 =	sld [smem:$0x3FB7]  }
0x39: {  	_ = 	snop;
	(pc) =	sbr.ind lr, $3  }
0x3a: {  	_ = 	snop  }
0x3b: {  	_ = 	snop  }
0x3c: {  	p2 =	seq.s32 s10, $0x1;
	s10 =	sld [smem:$0x3FB6]  }
0x3d: {  	_ =	shalt  }
0x3e: {  	_ =	shalt  }
0x3f: {  	_ =	shalt  }
0x40: {  	_ =	shalt  }
0x41: {  	_ =	shalt  }
0x42: {  	_ =	shalt  }
0x43: {  	_ =	shalt  }
0x44: {  	_ =	shalt  }
0x45: {  	_ =	shalt  }
0x46: {  	_ =	shalt  }
0x47: {  	_ =	shalt  }
0x48: {  	_ =	shalt  }
0x49: {  	_ =	shalt  }
0x4a: {  	_ =	shalt  }
0x4b: {  	_ =	shalt  }
0x4c: {  	_ =	shalt  }
0x4d: {  	_ =	shalt  }
0x4e: {  	_ =	shalt  }
0x4f: {  	_ =	shalt  }
0x50: {  	_ =	shalt  }
0x51: {  	_ =	shalt  }
0x52: {  	_ =	shalt  }
0x53: {  	_ =	shalt  }
0x54: {  	_ =	shalt  }
0x55: {  	_ =	shalt  }
0x56: {  	_ =	shalt  }
0x57: {  	_ =	shalt  }
0x58: {  	_ =	shalt  }
0x59: {  	_ =	shalt  }
0x5a: {  	_ =	shalt  }
0x5b: {  	_ =	shalt  }
0x5c: {  	_ =	shalt  }
0x5d: {  	_ =	shalt  }
0x5e: {  	_ =	shalt  }
0x5f: {  	_ =	shalt  }
0x60: {  	_ =	shalt  }
0x61: {  	_ =	shalt  }
0x62: {  	_ =	shalt  }
0x63: {  	_ =	shalt  }
0x64: {  	_ =	shalt  }
0x65: {  	_ =	shalt  }
0x66: {  	_ =	shalt  }
0x67: {  	_ =	shalt  }
0x68: {  	_ =	shalt  }
0x69: {  	_ =	shalt  }
0x6a: {  	_ =	shalt  }
0x6b: {  	_ =	shalt  }
0x6c: {  	_ =	shalt  }
0x6d: {  	_ =	shalt  }
0x6e: {  	_ =	shalt  }
0x6f: {  	_ =	shalt  }
0x70: {  	_ =	shalt  }
0x71: {  	_ =	shalt  }
0x72: {  	_ =	shalt  }
0x73: {  	_ =	shalt  }
0x74: {  	_ =	shalt  }
0x75: {  	_ =	shalt  }
0x76: {  	_ =	shalt  }
0x77: {  	_ =	shalt  }
0x78: {  	_ =	shalt  }
0x79: {  	_ =	shalt  }
0x7a: {  	_ =	shalt  }
0x7b: {  	_ =	shalt  }
0x7c: {  	_ =	shalt  }
0x7d: {  	_ =	shalt  }
0x7e: {  	_ =	shalt  }
0x7f: {  	_ =	shalt  }
0x80: {  	_ =	shalt  }
0x81: {  	_ =	shalt  }
0x82: {  	_ =	shalt  }
0x83: {  	_ =	shalt  }
0x84: {  	_ =	shalt  }
0x85: {  	_ =	shalt  }
0x86: {  	_ =	shalt  }
0x87: {  	_ =	shalt  }
.Lfunc_end0:
.L_simem_size_0:
called_computation.2_lowered:
.L_overlay_start_0:
0x88: {  	s2 =	sld [smem:$0x3FD9]  }
0x89: {  	s3 =	sld [smem:$0x3FFE];
	_ =	sdelay $0x1  }
0x8a: {  	s1 =	srdreg.scid  }
0x8b: {  	s0 =	sand.u32 $0x1, s1  }
0x8c: {  	s17 =	sshll.u32 s0, $0xA;
	s2 =	sadd.s32 s3, s2  }
0x8d: {  	s2 =	sadd.s32 s2, s17  }
0x8e: {  	[smem:$0x3FC2] =	sst s2  }
0x8f: {  	_ = 	snop  }
0x90: {  	s2 =	sld [smem:$0x3FD0];
	(tm) =	ssettm $0x1  }
0x91: {  	s18 =	sld [smem:$0x3FFB];
	_ =	sdelay $0x3  }
0x92: {  	_ =	strace s18  }
0x93: {  	s3 =	sld [smem:$0x3FFC];
	_ =	sdelay $0x3  }
0x94: {  	_ =	strace s3  }
0x95: {  	s3 =	sld [smem:$0x3FFD];
	_ =	sdelay $0x3  }
0x96: {  	_ =	strace s3  }
0x97: {  	_ =	strace $0x8FFFFFFF  }
0x98: {  	s19 =	sld [smem:$0x3FDB];
	_ =	sdelay $0x1  }
0x99: {  	s4 =	simm.s32 $_scs_section_size  }
0x9a: {  	s5 =	simm.s32 $_size__tile_overlayer_lowered;
	s6 =	simm.s32 $_tile_overlayer_lowered  }
0x9b: {  	s22 =	simm.s32 $0x1BFF;
	s21 =	sshll.u32 s6, $0x1;
	s3 =	sadd.s32 s4, s19  }
0x9c: {  	s7 =	simm.s32 $0x0;
	s20 =	sshll.u32 s5, $0x1;
	s5 =	sadd.s32 s21, s3  }
0x9d: {  	[timem:s7], [sflag:s22] =	dma.local [hbm:s5], s20  }
0x9e: {  	_ =	swait.ge [sflag:s22], s20  }
0x9f: {  	s4 =	ssub.s32 $0x0, s20;
	[sflag:s22] =	ssyncset.done $0x0  }
0xa0: {  	[sflag:s22] =	ssyncadd.s32 s4;
	_ =	sdelay $0x1  }
0xa1: {  	s23 =	simm.s32 $0x1B8B  }
0xa2: {  	_ =	swait.ge [sflag:s23], $0x1  }
0xa3: {  	[sflag:s23] =	ssyncset.done $0x0  }
0xa4: {  	s25 =	simm.s32 $0x1B8E;
	s24 =	sld [smem:$0x3FFE];
	[sflag:s23] =	ssyncadd.s32 $0xFFFFFFFF  }
0xa5: {  	s26 =	simm.s32 $execute0_lowered;
	[smem:$0x3FD2] =	sst s25  }
0xa6: {  	s5 =	sshll.u32 s26, $0x1;
	_ =	strace $0x8000004C;
	[dreg:$0x1] =	wrdreg $0xFFFFFFFF  }
0xa7: {  	s28 =	simm.s32 $_size_execute0_lowered;
	s3 =	sadd.s32 s3, s5;
	[dreg:$0x0] =	wrdreg $0x0  }
0xa8: {  	s5 =	sshll.u32 s28, $0x1;
	[dreg:$0x2] =	wrdreg s3  }
0xa9: {  	[dreg:$0x3] =	wrdreg s5  }
0xaa: {  	[dreg:$0x4] =	wrdreg $0xC0  }
0xab: {  	_ =	task [dreg:s7], $0x5FFFF  }
0xac: {  	[dreg:$0x1] =	wrdreg $0xFFFFFFFF  }
0xad: {  	[dreg:$0x0] =	wrdreg $0x60  }
0xae: {  	[dreg:$0x2] =	wrdreg s2  }
0xaf: {  	[dreg:$0x3] =	wrdreg s24  }
0xb0: {  	[dreg:$0x4] =	wrdreg $0xA8000  }
0xb1: {  	[dreg:$0x5] =	wrdreg $0x9  }
0xb2: {  	_ =	task.clear_ibuf [dreg:s7], $0x6FFFF;
	_ =	strace $0x9000004C  }
0xb3: {  	s29 =	simm.s32 $0x9;
	_ =	strace $0x8000004E  }
0xb4: {  	_ =	swait.ge [sflag:s29], $0x1  }
0xb5: {  	[sflag:s29] =	ssyncadd.s32 $0xFFFFFFFF  }
0xb6: {  	_ =	strace $0x9000004E  }
0xb7: {  	_ =	sfence  }
0xb8: {  	s30 =	sld [smem:$0x0];
	_ =	sdelay $0x2  }
0xb9: {  	s31 =	sshll.u32 s1, $0xD;
	s1 =	sshrl.u32 s1, $0x2  }
0xba: {  	s3 =	sand.u32 $0x4000, s31;
	s1 =	sadd.s32 s1, s30  }
0xbb: {  	s0 =	sor.u32 s3, s0;
	s1 =	sshll.u32 s1, $0x11  }
0xbc: {  	s0 =	sor.u32 s1, s0  }
0xbd: {  	s0 =	sadd.s32 $0x8F2B, s0  }
0xbe: {  	[sflag:s0] =	ssyncadd.remote.s32 $0x1  }
0xbf: {  	_ =	sfence.sel $0xFFFF  }
0xc0: {  	[dreg:$0x0] =	wrdreg $0xFFFFFFFF;
	(pc) =	sbr.abs _section_cstart, $3  }
0xc1: {  	[dreg:$0x1] =	wrdreg $0xFFFFFFFF  }
0xc2: {  	_ =	task.clear_ibuf [dreg:s7], $0x2FFFF;
	_ =	strace $0x9FFFFFFF  }
0xc3: {  	(tm) =	ssettm $0x7FFFFFFF  }
tec
execute0_lowered:
.L_overlay_start_1:
0x0: {  	(tag) =	ssettag $0x1  }
0x1: {  	s1 =	rddreg [dreg:$0x0]  }
0x2: {  	s6 =	rddreg [dreg:$0x1]  }
0x3: {  	s2 =	rddreg [dreg:$0x2]  }
0x4: {  	s0 =	rddreg [dreg:$0x3];
	s4 =	simm.s32 $0x0;
	s3 =	srdreg.scid  }
0x5: {  	s13 =	simm.s32 $0x4000;
	s14 =	simm.s32 $0x50;
	s15 =	simm.s32 $0x8000  }
0x6: {  	s16 =	simm.s32 $0x1;
	[smem:$0x7FF] =	sst s4;
	s7 =	sand.u32 $0x1, s3  }
0x7: {  	s17 =	simm.s32 $0x0;
	s3 =	stileid.u32;
	s5 =	smul.u32 $0x140000, s7  }
0x8: {  	s8 =	sshll.u32 s7, $0xF;
	s9 =	sshll.u32 s3, $0xB;
	s10 =	smul.u32 $0x14000, s3  }
0x9: {  	_ =	strace $0x8000004D;
	s29 =	smul.u32 $0x50000, s3;
	s7 =	ssub.s32 $0x2, s7  }
0xa: {  	s31 =	sshll.u32 s3, $0x6;
	s8 =	sor.u32 s9, s8;
	s30 =	sshrl.u32 s7, $0x1  }
0xb: {  	s8 =	sadd.s32 s8, s6;
	s28 =	sadd.s32 s10, s5;
	s5 =	sadd.s32 $0x22600, s6  }
0xc: {  	s10 =	sshrl.u32 s29, $0x2;
	s11 =	ssub.s32 s7, s30;
	s9 =	sshrl.u32 s28, $0x3  }
0xd: {  	s12 =	sadd.s32 s10, s2;
	s7 =	sadd.s32 $0x12600, s8;
	s8 =	sadd.s32 $0x2400, s8  }
0xe: {  	s10 =	smax.u32 s11, $0x1;
	s9 =	sadd.s32 s9, s6;
	s6 =	sor.u32 $0x1C02, s31  }
0xf: {  	s11 =	sshrl.u32 s12, $0x3;
	s12 =	simm.s32 $0x2;
	s9 =	sadd.s32 $0x24E00, s9  }
.LBB2_1:
0x10: {  	[spmem:s11], [sflag:s6] =	dma.local [hbm:s5], $0x2800  }
0x11: {  	_ =	swait.ge [sflag:s12], $0x2800  }
0x12: {  	[sflag:s12] =	ssyncset.done $0x0  }
0x13: {  	[sflag:s12] =	ssyncadd.s32 $0xFFFFD800  }
0x14: {  	[tilespmem:s4], [sflag:$0x2] =	stream.linear.gather [hbm4b:s7+s4], $0x3E80, $0x38;
	[tilespmem:$0x1E800] =	vst v63  }
0x15: {  	_ =	swait.ge [sflag:s12], $0x3E80  }
0x16: {  	[sflag:s12] =	ssyncset.done $0x0  }
0x17: {  	[sflag:s12] =	ssyncadd.s32 $0xFFFFC180  }
0x18: {  	[tilespmem:s13], [sflag:$0x2] =	stream.linear.gather [hbm4b:s8+s4], $0x3E80, $0x38;
	[tilespmem:$0x1E800] =	vst v63  }
0x19: {  	_ =	swait.ge [sflag:s12], $0x3E80  }
0x1a: {  	[sflag:s12] =	ssyncset.done $0x0  }
0x1b: {  	[sflag:s12] =	ssyncadd.s32 $0xFFFFC180  }
0x1c: {  	s18 =	simm.s32 $0x0;
	[bflag:$0x0] =	sbarrier.arrive $0xFFFF  }
0x1d: {  	[tilespmem:s15], [sflag:$0x1] =	stream.indirect.gather [hbm4b:s1+s14], $0x80, s18, s14, $0xb8;
	[tilespmem:$0x1E800] =	vst v63  }
0x1e: {  	_ =	swait.ge [sflag:s16], $0x2800  }
0x1f: {  	[sflag:s16] =	ssyncset.done $0x0  }
0x20: {  	s31 =	simm.s32 $0x4000;
	[sflag:s16] =	ssyncadd.s32 $0xFFFFD800  }
0x21: {  	[spmem:s2] =	stream.indirect.scatter.add.f32 [tilespmem:s15], [sflag:$0x2], $0x80, s31, s14, $0xb8;
	[tilespmem:$0x1E800] =	vst v63  }
0x22: {  	_ =	swait.ge [sflag:s12], $0x2800  }
0x23: {  	s19 =	simm.s32 $0x400;
	s18 =	simm.s32 $0x200;
	[sflag:s12] =	ssyncset.done $0x0  }
.LBB2_2:
0x24: {  	s20 =	sshra.s32 s18, $0x2  }
0x25: {  	[sflag:s12] =	ssyncadd.s32 $0xFFFFD800;
	s18 =	smov.u32 s19;
	s21 =	sadd.s32 $0x200, s19  }
0x26: {  	[tilespmem:s15], [sflag:$0x1] =	stream.indirect.gather [hbm4b:s1+s14], $0x80, s20, s14, $0xb8;
	[tilespmem:$0x1E800] =	vst v63  }
0x27: {  	p0 =	sne.s32 s19, $0xF800;
	_ =	swait.ge [sflag:s16], $0x2800  }
.Ltmp0:
0x28: {  	[sflag:s16] =	ssyncset.done $0x0;
	(pc) =	sbr.rel @p0 .LBB2_2-.Ltmp0, $4  }
0x29: {  	s19 =	sadd.s32 $0x4000, s20;
	[sflag:s16] =	ssyncadd.s32 $0xFFFFD800  }
0x2a: {  	[spmem:s2] =	stream.indirect.scatter.add.f32 [tilespmem:s15], [sflag:$0x2], $0x80, s19, s14, $0xb8;
	[tilespmem:$0x1E800] =	vst v63  }
0x2b: {  	_ =	swait.ge [sflag:s12], $0x2800  }
0x2c: {  	s19 =	smov.u32 s21;
	[sflag:s12] =	ssyncset.done $0x0  }
0x2d: {  	s18 =	sshra.s32 s18, $0x2;
	[sflag:s12] =	ssyncadd.s32 $0xFFFFD800  }
0x2e: {  	[tilespmem:s15], [sflag:$0x1] =	stream.indirect.gather [hbm4b:s1+s14], $0x80, s18, s14, $0xb8;
	[tilespmem:$0x1E800] =	vst v63  }
0x2f: {  	_ =	swait.ge [sflag:s16], $0x2800  }
0x30: {  	[sflag:s16] =	ssyncset.done $0x0  }
0x31: {  	s18 =	sadd.s32 $0x4000, s18;
	[sflag:s16] =	ssyncadd.s32 $0xFFFFD800  }
0x32: {  	[spmem:s2] =	stream.indirect.scatter.add.f32 [tilespmem:s15], [sflag:$0x2], $0x80, s18, s14, $0xb8;
	[tilespmem:$0x1E800] =	vst v63  }
0x33: {  	_ =	swait.ge [sflag:s12], $0x2800  }
0x34: {  	s17 =	sadd.s32 $0x1, s17;
	[sflag:s12] =	ssyncset.done $0x0  }
0x35: {  	p0 =	sne.s32 s17, s10;
	[sflag:s12] =	ssyncadd.s32 $0xFFFFD800  }
.Ltmp1:
0x36: {  	[bflag:$0x0] =	sbarrier.arrive $0xFFFF;
	(pc) =	sbr.rel @p0 .LBB2_1-.Ltmp1, $4  }
0x37: {  	[hbm:s9], [sflag:s6] =	dma.local [spmem:s11], $0x2800  }
0x38: {  	_ =	swait.ge [sflag:s12], $0x2800  }
0x39: {  	[sflag:s12] =	ssyncset.done $0x0  }
0x3a: {  	[sflag:s12] =	ssyncadd.s32 $0xFFFFD800  }
0x3b: {  	_ =	sfence.sel $0x180000  }
0x3c: {  	[bflag:$0x0] =	sbarrier.arrive $0xFFFF  }
0x3d: {  	p0 =	sne.s32 s3, $0x0;
	_ =	strace $0x9000004D  }
0x3e: {  	s0 =	sadd.s32 @!p0 $0x100000, s0;
	[bflag:$0x2] =	sbarrier.arrive $0xFFFF  }
0x3f: {  	[sflag:s0] =	ssyncadd.tile.s32 @!p0 $0x1;
	_ =	shalt  }
.Lfunc_end2:
_tile_overlayer_lowered:
.L_overlay_start_2:
0x40: {  	(tag) =	ssettag $0x2  }
0x41: {  	s0 =	rddreg [dreg:$0x0];
	s2 =	stileid.u32  }
0x42: {  	s1 =	rddreg [dreg:$0x1];
	p0 =	sne.s32 s2, $0x0  }
0x43: {  	s3 =	rddreg [dreg:$0x2];
	[bflag:$0x3] =	sbarrier.arrive $0xFFFF;
	s2 =	simm.s32 @!p0 $0x1C02  }
0x44: {  	[timem:s3], [sflag:s2] =	dma.local @!p0 [hbm:s0], s1  }
0x45: {  	s0 =	simm.s32 @!p0 $0x2  }
0x46: {  	_ =	swait.ge @!p0 [sflag:s0], s1  }
0x47: {  	s1 =	ssub.s32 @!p0 $0x0, s1;
	[sflag:s0] =	ssyncset.done @!p0 $0x0  }
0x48: {  	[sflag:s0] =	ssyncadd.s32 @!p0 s1  }
0x49: {  	[bflag:$0x3] =	sbarrier.arrive $0xFFFF  }
0x4a: {  	_ =	shalt  }

// kernel: kernel.8.cloned.1.call-start
scs
__scs_entry_jumppad:
0x0: {  	(pc) =	sbr.rel $0x88, $3  }
0x1: {  	(tag) =	ssettag $0x0;
	lr =	simm.s32 $0x1  }
0x2: {  	[smem:$0x3F9B] =	sst lr;
	_ =	strace $0xD0000000  }
0x3: {  	_ = 	snop  }
0x4: {  	_ = 	snop  }
0x5: {  	_ = 	snop  }
0x6: {  	_ = 	snop  }
0x7: {  	_ = 	snop  }
__scs_overlays_trampoline_lowered:
0x8: {  	[smem:$0x3FAA] =	sst s0  }
0x9: {  	[smem:$0x3FAB] =	sst s1  }
0xa: {  	[smem:$0x3FAC] =	sst s2  }
0xb: {  	[smem:$0x3FAD] =	sst s3  }
0xc: {  	[smem:$0x3FAE] =	sst s4  }
0xd: {  	[smem:$0x3FAF] =	sst s5  }
0xe: {  	[smem:$0x3FB0] =	sst s6  }
0xf: {  	[smem:$0x3FB1] =	sst s7  }
0x10: {  	[smem:$0x3FB2] =	sst s8  }
0x11: {  	[smem:$0x3FB3] =	sst s9;
	s0 =	simm.s32 @!p0 $0x0  }
0x12: {  	s1 =	sld [smem:$0x3F99];
	s0 =	simm.s32 @p0 $0x1  }
0x13: {  	[smem:$0x3FB4] =	sst s0;
	s0 =	simm.s32 @!p1 $0x0  }
0x14: {  	s2 =	sld [smem:$0x3F98];
	s0 =	simm.s32 @p1 $0x1  }
0x15: {  	[smem:$0x3FB5] =	sst s0;
	s0 =	simm.s32 @!p2 $0x0  }
0x16: {  	s3 =	sld [smem:$0x3FDB];
	s0 =	simm.s32 @p2 $0x1  }
0x17: {  	s4 =	simm.s32 $0x1BF5;
	[smem:$0x3FB7] =	sst s0  }
0x18: {  	s0 =	sld [smem:$0x3F9A];
	_ =	swait.ge [sflag:s4], $0x0  }
0x19: {  	s7 =	sld [smem:$0x3F9B]  }
0x1a: {  	s8 =	sadd.s32 $0xFFFFE003, lr  }
0x1b: {  	s9 =	sadd.s32 $0xFFFFFEF7, lr;
	s5 =	simm.s32 $0xFFFFFFFF;
	p2 =	slt.u32 s8, $0xFFFFF086  }
0x1c: {  	p1 =	slt.u32 s9, $0xF7A;
	s5 =	simm.s32 @!p2 $0x0  }
0x1d: {  	s5 =	simm.s32 @p1 $0x1;
	p0 =	seq.s32 s7, s2  }
0x1e: {  	s7 =	smul.u32 @!p0 $0xF7A, s2;
	p2 =	seq.s32 @!p0 s5, $0x0  }
0x1f: {  	s9 =	smul.u32 $0xF7A, s1;
	s8 =	simm.s32 @!p0 $0x1BF5;
	p2 =	por !p2, p0  }
0x20: {  	[sflag:s8] =	ssyncset.s32 @!p0 $0xFFFFF086;
	s6 =	sadd.s32 @!p0 s3, s7;
	s7 =	simm.s32 @!p0 $0x108  }
0x21: {  	s3 =	sadd.s32 s3, s9;
	s6 =	sadd.s32 @!p0 $0x88, s6;
	s7 =	simm.s32 @p2 $0x1082  }
0x22: {  	[simem:s7], [sflag:s8] =	dma.local @!p0 [hbm:s6], $0xF7A  }
0x23: {  	s9 =	sor.u32 $0xD0000000, s2;
	s6 =	simm.s32 $0x108;
	_ =	swait.ge @!p0 [sflag:s8], $0x0  }
0x24: {  	s3 =	sadd.s32 $0x88, s3;
	s6 =	simm.s32 @!p1 $0x1082;
	[sflag:s4] =	ssyncset.s32 $0xFFFFF086  }
0x25: {  	[simem:s6], [sflag:s4] =	dma.local [hbm:s3], $0xF7A  }
0x26: {  	[smem:$0x3F9B] =	sst s1;
	(tag) =	ssettag s2;
	_ =	strace s9  }
0x27: {  	s1 =	sld [smem:$0x3FAB]  }
0x28: {  	s2 =	sld [smem:$0x3FAC]  }
0x29: {  	s4 =	sld [smem:$0x3FAE]  }
0x2a: {  	p0 =	seq.s32 s5, $0x0;
	s5 =	sld [smem:$0x3FAF]  }
0x2b: {  	s6 =	sld [smem:$0x3FB0]  }
0x2c: {  	s7 =	sld [smem:$0x3FB1]  }
0x2d: {  	s3 =	simm.s32 $0x108;
	s8 =	sld [smem:$0x3FB2]  }
0x2e: {  	s3 =	simm.s32 @!p0 $0x1082;
	s9 =	sld [smem:$0x3FB3]  }
0x2f: {  	lr =	sadd.s32 s0, s3;
	s0 =	sld [smem:$0x3FAA]  }
0x30: {  	s3 =	sld [smem:$0x3FAD]  }
0x31: {  	[smem:$0x3FB6] =	sst s10  }
0x32: {  	s10 =	sld [smem:$0x3FB4];
	_ =	sdelay $0x3  }
0x33: {  	p0 =	seq.s32 s10, $0x1;
	s10 =	sld [smem:$0x3FB6];
	_ =	sdelay $0x3  }
0x34: {  	[smem:$0x3FB6] =	sst s10  }
0x35: {  	s10 =	sld [smem:$0x3FB5];
	_ =	sdelay $0x3  }
0x36: {  	p1 =	seq.s32 s10, $0x1;
	s10 =	sld [smem:$0x3FB6];
	_ =	sdelay $0x3  }
0x37: {  	[smem:$0x3FB6] =	sst s10  }
0x38: {  	s10 =	sld [smem:$0x3FB7]  }
0x39: {  	_ = 	snop;
	(pc) =	sbr.ind lr, $3  }
0x3a: {  	_ = 	snop  }
0x3b: {  	_ = 	snop  }
0x3c: {  	p2 =	seq.s32 s10, $0x1;
	s10 =	sld [smem:$0x3FB6]  }
0x3d: {  	_ =	shalt  }
0x3e: {  	_ =	shalt  }
0x3f: {  	_ =	shalt  }
0x40: {  	_ =	shalt  }
0x41: {  	_ =	shalt  }
0x42: {  	_ =	shalt  }
0x43: {  	_ =	shalt  }
0x44: {  	_ =	shalt  }
0x45: {  	_ =	shalt  }
0x46: {  	_ =	shalt  }
0x47: {  	_ =	shalt  }
0x48: {  	_ =	shalt  }
0x49: {  	_ =	shalt  }
0x4a: {  	_ =	shalt  }
0x4b: {  	_ =	shalt  }
0x4c: {  	_ =	shalt  }
0x4d: {  	_ =	shalt  }
0x4e: {  	_ =	shalt  }
0x4f: {  	_ =	shalt  }
0x50: {  	_ =	shalt  }
0x51: {  	_ =	shalt  }
0x52: {  	_ =	shalt  }
0x53: {  	_ =	shalt  }
0x54: {  	_ =	shalt  }
0x55: {  	_ =	shalt  }
0x56: {  	_ =	shalt  }
0x57: {  	_ =	shalt  }
0x58: {  	_ =	shalt  }
0x59: {  	_ =	shalt  }
0x5a: {  	_ =	shalt  }
0x5b: {  	_ =	shalt  }
0x5c: {  	_ =	shalt  }
0x5d: {  	_ =	shalt  }
0x5e: {  	_ =	shalt  }
0x5f: {  	_ =	shalt  }
0x60: {  	_ =	shalt  }
0x61: {  	_ =	shalt  }
0x62: {  	_ =	shalt  }
0x63: {  	_ =	shalt  }
0x64: {  	_ =	shalt  }
0x65: {  	_ =	shalt  }
0x66: {  	_ =	shalt  }
0x67: {  	_ =	shalt  }
0x68: {  	_ =	shalt  }
0x69: {  	_ =	shalt  }
0x6a: {  	_ =	shalt  }
0x6b: {  	_ =	shalt  }
0x6c: {  	_ =	shalt  }
0x6d: {  	_ =	shalt  }
0x6e: {  	_ =	shalt  }
0x6f: {  	_ =	shalt  }
0x70: {  	_ =	shalt  }
0x71: {  	_ =	shalt  }
0x72: {  	_ =	shalt  }
0x73: {  	_ =	shalt  }
0x74: {  	_ =	shalt  }
0x75: {  	_ =	shalt  }
0x76: {  	_ =	shalt  }
0x77: {  	_ =	shalt  }
0x78: {  	_ =	shalt  }
0x79: {  	_ =	shalt  }
0x7a: {  	_ =	shalt  }
0x7b: {  	_ =	shalt  }
0x7c: {  	_ =	shalt  }
0x7d: {  	_ =	shalt  }
0x7e: {  	_ =	shalt  }
0x7f: {  	_ =	shalt  }
0x80: {  	_ =	shalt  }
0x81: {  	_ =	shalt  }
0x82: {  	_ =	shalt  }
0x83: {  	_ =	shalt  }
0x84: {  	_ =	shalt  }
0x85: {  	_ =	shalt  }
0x86: {  	_ =	shalt  }
0x87: {  	_ =	shalt  }
.Lfunc_end0:
.L_simem_size_0:
called_computation_lowered:
.L_overlay_start_0:
0x88: {  	s2 =	sld [smem:$0x3FD9]  }
0x89: {  	s3 =	sld [smem:$0x3FFE];
	_ =	sdelay $0x1  }
0x8a: {  	s1 =	srdreg.scid  }
0x8b: {  	s0 =	sand.u32 $0x1, s1  }
0x8c: {  	s17 =	sshll.u32 s0, $0xA;
	s2 =	sadd.s32 s3, s2  }
0x8d: {  	s2 =	sadd.s32 s2, s17  }
0x8e: {  	[smem:$0x3FC2] =	sst s2  }
0x8f: {  	_ = 	snop  }
0x90: {  	s2 =	sld [smem:$0x3FD0];
	(tm) =	ssettm $0x1  }
0x91: {  	s18 =	sld [smem:$0x3FFB];
	_ =	sdelay $0x3  }
0x92: {  	_ =	strace s18  }
0x93: {  	s3 =	sld [smem:$0x3FFC];
	_ =	sdelay $0x3  }
0x94: {  	_ =	strace s3  }
0x95: {  	s3 =	sld [smem:$0x3FFD];
	_ =	sdelay $0x3  }
0x96: {  	_ =	strace s3  }
0x97: {  	_ =	strace $0x8FFFFFFF  }
0x98: {  	s19 =	sld [smem:$0x3FDB];
	_ =	sdelay $0x1  }
0x99: {  	s4 =	simm.s32 $_scs_section_size  }
0x9a: {  	s5 =	simm.s32 $_size__tile_overlayer_lowered;
	s6 =	simm.s32 $_tile_overlayer_lowered  }
0x9b: {  	s22 =	simm.s32 $0x1BFF;
	s21 =	sshll.u32 s6, $0x1;
	s3 =	sadd.s32 s4, s19  }
0x9c: {  	s7 =	simm.s32 $0x0;
	s20 =	sshll.u32 s5, $0x1;
	s5 =	sadd.s32 s21, s3  }
0x9d: {  	[timem:s7], [sflag:s22] =	dma.local [hbm:s5], s20  }
0x9e: {  	_ =	swait.ge [sflag:s22], s20  }
0x9f: {  	s4 =	ssub.s32 $0x0, s20;
	[sflag:s22] =	ssyncset.done $0x0  }
0xa0: {  	[sflag:s22] =	ssyncadd.s32 s4;
	_ =	sdelay $0x1  }
0xa1: {  	s23 =	simm.s32 $0x1B8B  }
0xa2: {  	_ =	swait.ge [sflag:s23], $0x1  }
0xa3: {  	[sflag:s23] =	ssyncset.done $0x0  }
0xa4: {  	s25 =	simm.s32 $0x1B8E;
	s24 =	sld [smem:$0x3FFE];
	[sflag:s23] =	ssyncadd.s32 $0xFFFFFFFF  }
0xa5: {  	s26 =	simm.s32 $execute0_lowered;
	[smem:$0x3FD2] =	sst s25  }
0xa6: {  	s5 =	sshll.u32 s26, $0x1;
	_ =	strace $0x80000046;
	[dreg:$0x1] =	wrdreg $0xFFFFFFFF  }
0xa7: {  	s28 =	simm.s32 $_size_execute0_lowered;
	s3 =	sadd.s32 s3, s5;
	[dreg:$0x0] =	wrdreg $0x0  }
0xa8: {  	s5 =	sshll.u32 s28, $0x1;
	[dreg:$0x2] =	wrdreg s3  }
0xa9: {  	[dreg:$0x3] =	wrdreg s5  }
0xaa: {  	[dreg:$0x4] =	wrdreg $0xC0  }
0xab: {  	_ =	task [dreg:s7], $0x5FFFF  }
0xac: {  	[dreg:$0x1] =	wrdreg $0xFFFFFFFF  }
0xad: {  	[dreg:$0x0] =	wrdreg $0x60  }
0xae: {  	[dreg:$0x2] =	wrdreg s24  }
0xaf: {  	[dreg:$0x3] =	wrdreg s2  }
0xb0: {  	[dreg:$0x4] =	wrdreg $0x40800  }
0xb1: {  	[dreg:$0x5] =	wrdreg $0x9  }
0xb2: {  	_ =	task.clear_ibuf [dreg:s7], $0x6FFFF;
	_ =	strace $0x90000046  }
0xb3: {  	s29 =	simm.s32 $0x9;
	_ =	strace $0x80000048  }
0xb4: {  	_ =	swait.ge [sflag:s29], $0x1  }
0xb5: {  	[sflag:s29] =	ssyncadd.s32 $0xFFFFFFFF  }
0xb6: {  	_ =	strace $0x90000048  }
0xb7: {  	_ =	sfence  }
0xb8: {  	s30 =	sld [smem:$0x0];
	_ =	sdelay $0x2  }
0xb9: {  	s31 =	sshll.u32 s1, $0xD;
	s1 =	sshrl.u32 s1, $0x2  }
0xba: {  	s3 =	sand.u32 $0x4000, s31;
	s1 =	sadd.s32 s1, s30  }
0xbb: {  	s0 =	sor.u32 s3, s0;
	s1 =	sshll.u32 s1, $0x11  }
0xbc: {  	s0 =	sor.u32 s1, s0  }
0xbd: {  	s0 =	sadd.s32 $0x8F2B, s0  }
0xbe: {  	[sflag:s0] =	ssyncadd.remote.s32 $0x1  }
0xbf: {  	_ =	sfence.sel $0xFFFF  }
0xc0: {  	[dreg:$0x0] =	wrdreg $0xFFFFFFFF;
	(pc) =	sbr.abs _section_cstart, $3  }
0xc1: {  	[dreg:$0x1] =	wrdreg $0xFFFFFFFF  }
0xc2: {  	_ =	task.clear_ibuf [dreg:s7], $0x2FFFF;
	_ =	strace $0x9FFFFFFF  }
0xc3: {  	(tm) =	ssettm $0x7FFFFFFF  }
tec
execute0_lowered:
.L_overlay_start_1:
0x0: {  	(tag) =	ssettag $0x1  }
0x1: {  	s4 =	rddreg [dreg:$0x0]  }
0x2: {  	s7 =	rddreg [dreg:$0x1]  }
0x3: {  	s2 =	rddreg [dreg:$0x2]  }
0x4: {  	s0 =	rddreg [dreg:$0x3];
	s3 =	simm.s32 $0x0  }
0x5: {  	s1 =	stileid.u32;
	s6 =	srdreg.scid;
	s13 =	simm.s32 $0x80  }
0x6: {  	s14 =	simm.s32 $0x10;
	s15 =	simm.s32 $0x0;
	[smem:$0x7FF] =	sst s3  }
0x7: {  	s5 =	sshll.u32 s1, $0xB;
	s6 =	sand.u32 $0x1, s6;
	s8 =	smul.u32 $0xA00, s1  }
0x8: {  	s11 =	sshrl.u32 s1, $0x3;
	s30 =	sshll.u32 s1, $0x7;
	s31 =	sshll.u32 s1, $0x6  }
0x9: {  	_ =	strace $0x80000047;
	s5 =	sadd.s32 s5, s4;
	s10 =	smul.u32 $0x2800, s6  }
0xa: {  	s4 =	sadd.s32 $0x12400, s4;
	s9 =	ssub.s32 $0x2, s6;
	s11 =	smul.u32 $0x1400, s11  }
0xb: {  	s6 =	sshll.u32 s6, $0xF;
	s12 =	sshrl.u32 s9, $0x1;
	s8 =	sshrl.u32 s8, $0x2  }
0xc: {  	s6 =	sadd.s32 s6, s5;
	s5 =	sor.u32 $0x1C01, s31;
	s9 =	ssub.s32 s9, s12  }
0xd: {  	s29 =	sadd.s32 s8, s2;
	s10 =	sadd.s32 s10, s11;
	s8 =	sand.u32 $0x380, s30  }
0xe: {  	s6 =	sadd.s32 $0x2400, s6;
	s11 =	simm.s32 $0x50;
	s8 =	sor.u32 s8, s10  }
0xf: {  	s12 =	simm.s32 $0x4000;
	s10 =	simm.s32 $0x1;
	s8 =	sshrl.u32 s8, $0x3  }
0x10: {  	v0 =	vimm.f32 $1.000000000e+00;
	s7 =	sadd.s32 s7, s8;
	s8 =	smax.u32 s9, $0x1;
	s9 =	sshrl.u32 s29, $0x3  }
.LBB2_1:
0x11: {  	[tilespmem:$0x4000] =	vst v0  }
0x12: {  	[tilespmem:$0x4010] =	vst v0  }
0x13: {  	[tilespmem:$0x4020] =	vst v0  }
0x14: {  	[tilespmem:$0x4030] =	vst v0  }
0x15: {  	[tilespmem:$0x4040] =	vst v0  }
0x16: {  	[spmem:s9], [sflag:s5] =	dma.local [hbm:s4], $0x50  }
0x17: {  	_ =	swait.ge [sflag:s10], $0x50  }
0x18: {  	[sflag:s10] =	ssyncset.done $0x0  }
0x19: {  	[sflag:s10] =	ssyncadd.s32 $0xFFFFFFB0  }
0x1a: {  	[tilespmem:s3], [sflag:$0x1] =	stream.linear.gather [hbm4b:s6+s3], $0x3E80, $0x38;
	[tilespmem:$0x4300] =	vst v63  }
0x1b: {  	_ =	swait.ge [sflag:s10], $0x3E80  }
0x1c: {  	[sflag:s10] =	ssyncset.done $0x0  }
0x1d: {  	[sflag:s10] =	ssyncadd.s32 $0xFFFFC180  }
0x1e: {  	s16 =	simm.s32 $0x0;
	[bflag:$0x0] =	sbarrier.arrive $0xFFFF  }
0x1f: {  	[spmem:s2] =	stream.indirect.scatter.add.f32 [tilespmem:s12], [sflag:$0x1], $0x1, s16, s11, $0xb8;
	[tilespmem:$0x4300] =	vst v63  }
0x20: {  	_ =	swait.ge [sflag:s10], $0x50  }
0x21: {  	s16 =	simm.s32 $0x200;
	[sflag:s10] =	ssyncset.done $0x0  }
.LBB2_2:
0x22: {  	s17 =	sshra.s32 s16, $0x2;
	[sflag:s10] =	ssyncadd.s32 $0xFFFFFFB0;
	p0 =	sne.s32 s16, $0xF800  }
0x23: {  	[spmem:s2] =	stream.indirect.scatter.add.f32 [tilespmem:s12], [sflag:$0x1], $0x1, s17, s11, $0xb8;
	[tilespmem:$0x4300] =	vst v63  }
.Ltmp0:
0x24: {  	_ = 	snop;
	(pc) =	sbr.rel @p0 .LBB2_2-.Ltmp0, $4  }
0x25: {  	_ = 	snop  }
0x26: {  	s16 =	sadd.s32 $0x200, s16  }
0x27: {  	_ =	swait.ge [sflag:s10], $0x50  }
0x28: {  	[sflag:s10] =	ssyncset.done $0x0  }
0x29: {  	s15 =	sadd.s32 $0x1, s15  }
0x2a: {  	[sflag:s10] =	ssyncadd.s32 $0xFFFFFFB0;
	p0 =	sne.s32 s15, s8  }
.Ltmp1:
0x2b: {  	[bflag:$0x0] =	sbarrier.arrive $0xFFFF;
	(pc) =	sbr.rel @p0 .LBB2_1-.Ltmp1, $4  }
0x2c: {  	[hbm:s7@s13], [sflag:s5] =	dma.strided [spmem:s9@s14], $0x50, s10, $0x10   }
0x2d: {  	_ =	swait.ge [sflag:s10], $0x50  }
0x2e: {  	[sflag:s10] =	ssyncset.done $0x0  }
0x2f: {  	[sflag:s10] =	ssyncadd.s32 $0xFFFFFFB0  }
0x30: {  	_ =	sfence.sel $0x180000  }
0x31: {  	[bflag:$0x0] =	sbarrier.arrive $0xFFFF  }
0x32: {  	p0 =	sne.s32 s1, $0x0;
	_ =	strace $0x90000047  }
0x33: {  	s0 =	sadd.s32 @!p0 $0x100000, s0;
	[bflag:$0x2] =	sbarrier.arrive $0xFFFF  }
0x34: {  	[sflag:s0] =	ssyncadd.tile.s32 @!p0 $0x1;
	_ =	shalt  }
.Lfunc_end2:
_tile_overlayer_lowered:
.L_overlay_start_2:
0x35: {  	(tag) =	ssettag $0x2  }
0x36: {  	s0 =	rddreg [dreg:$0x0];
	s2 =	stileid.u32  }
0x37: {  	s1 =	rddreg [dreg:$0x1];
	p0 =	sne.s32 s2, $0x0  }
0x38: {  	s3 =	rddreg [dreg:$0x2];
	[bflag:$0x3] =	sbarrier.arrive $0xFFFF;
	s2 =	simm.s32 @!p0 $0x1C01  }
0x39: {  	[timem:s3], [sflag:s2] =	dma.local @!p0 [hbm:s0], s1  }
0x3a: {  	s0 =	simm.s32 @!p0 $0x1  }
0x3b: {  	_ =	swait.ge @!p0 [sflag:s0], s1  }
0x3c: {  	s1 =	ssub.s32 @!p0 $0x0, s1;
	[sflag:s0] =	ssyncset.done @!p0 $0x0  }
0x3d: {  	[sflag:s0] =	ssyncadd.s32 @!p0 s1  }
0x3e: {  	[bflag:$0x3] =	sbarrier.arrive $0xFFFF  }
0x3f: {  	_ =	shalt  }

</sc_bundles>
